<compile_context>
chip_gen: v7x
topology: tpu7x:2x2x1
jax: 0.10.2.dev20260603
libtpu: 0.0.44.dev20260713+nightly
codegen_flags: <defaults>
</compile_context>

<pallas_src>
import jax
import jax.numpy as jnp
from jax import lax
from jax.experimental import pallas as pl
from jax.experimental.pallas import tpu as pltpu
from jax.experimental.pallas import tpu_sc as plsc

N = 10000
E = 320000
DN = 128
DE = 16
DT = 32
DO = 128
H = 8
HD = DO // H

NC = 2
NS = 16
NW = NC * NS
PER_W = E // NW
GCH = 200
GNCH = PER_W // GCH
SCHUNK = 128
NSCC = E // SCHUNK
NPAD = 10240
ROWS_PER_TILE = NPAD // NS

TE = 3200
NB = 1000



def _q_body(hd_ref, ztf_ref, wq1_ref, wq2_ref, bq_ref, q_ref):
    q = jnp.dot(hd_ref[...], wq1_ref[...].T, preferred_element_type=jnp.float32)
    q += jnp.dot(ztf_ref[...], wq2_ref[...].T, preferred_element_type=jnp.float32)
    q_ref[...] = q + bq_ref[...]


def _q_proj(h_dst, ztf, wq1, wq2, bq):
    return pl.pallas_call(
        _q_body,
        out_shape=jax.ShapeDtypeStruct((N, DO), jnp.float32),
    )(h_dst, ztf, wq1, wq2, bq)



def _gather_body(q_hbm, idx_hbm, qe_hbm, idx_all, r0, r1, g0, g1, w0, w1):
    wid = lax.axis_index("s") * NC + lax.axis_index("c")
    base = wid * PER_W
    pltpu.sync_copy(idx_hbm.at[pl.ds(base, PER_W)], idx_all)

    def gather(c, buf, sem):
        return pltpu.async_copy(q_hbm.at[idx_all.at[pl.ds(c * GCH, GCH)]], buf, sem)

    gather(0, r0, g0)
    gather(1, r1, g1)

    def pair(i, carry):
        c0 = 2 * i
        c1 = 2 * i + 1
        pltpu.make_async_copy(q_hbm.at[idx_all.at[pl.ds(0, GCH)]], r0, g0).wait()
        pltpu.async_copy(r0, qe_hbm.at[pl.ds(base + c0 * GCH, GCH)], w0)
        pltpu.make_async_copy(q_hbm.at[idx_all.at[pl.ds(0, GCH)]], r1, g1).wait()
        pltpu.async_copy(r1, qe_hbm.at[pl.ds(base + c1 * GCH, GCH)], w1)
        pltpu.make_async_copy(r0, qe_hbm.at[pl.ds(base, GCH)], w0).wait()

        @pl.when(c0 + 2 < GNCH)
        def _():
            gather(c0 + 2, r0, g0)

        pltpu.make_async_copy(r1, qe_hbm.at[pl.ds(base, GCH)], w1).wait()

        @pl.when(c1 + 2 < GNCH)
        def _():
            gather(c1 + 2, r1, g1)

        return carry

    lax.fori_loop(0, GNCH // 2, pair, 0)


def _sc_gather(q, dst_idx):
    mesh = plsc.VectorSubcoreMesh(core_axis_name="c", subcore_axis_name="s")
    return pl.kernel(
        _gather_body,
        out_type=jax.ShapeDtypeStruct((E, DO), jnp.float32),
        mesh=mesh,
        scratch_types=[
            pltpu.VMEM((PER_W,), jnp.int32),
            pltpu.VMEM((GCH, DO), jnp.float32),
            pltpu.VMEM((GCH, DO), jnp.float32),
            pltpu.SemaphoreType.DMA,
            pltpu.SemaphoreType.DMA,
            pltpu.SemaphoreType.DMA,
            pltpu.SemaphoreType.DMA,
        ],
    )(q, dst_idx)



def _kv_body(hs_ref, ef_ref, td_ref, qe_ref, wa_ref, wb_ref, wc_ref,
             bkv_ref, tw_ref, tb_ref, outv_ref, exf_ref):
    tf = jnp.cos(td_ref[...] * tw_ref[...] + tb_ref[...])
    z = jnp.dot(hs_ref[...], wa_ref[...].T, preferred_element_type=jnp.float32)
    z += jnp.dot(ef_ref[...], wb_ref[...].T, preferred_element_type=jnp.float32)
    z += jnp.dot(tf, wc_ref[...].T, preferred_element_type=jnp.float32)
    z += bkv_ref[...]
    k = z[:, :DO]
    v = z[:, DO:]
    d_iota = lax.broadcasted_iota(jnp.int32, (DO, H), 0) // HD
    h_iota = lax.broadcasted_iota(jnp.int32, (DO, H), 1)
    bd = (d_iota == h_iota).astype(jnp.float32)
    s = jnp.dot(qe_ref[...] * k, bd, preferred_element_type=jnp.float32)
    s = jnp.where(s >= 0, s, 0.2 * s)
    ex = jnp.exp(s)
    outv_ref[...] = v * jnp.dot(ex, bd.T, preferred_element_type=jnp.float32)
    p_iota = lax.broadcasted_iota(jnp.int32, (H, DO), 1)
    q_iota = lax.broadcasted_iota(jnp.int32, (H, DO), 0)
    sel = (p_iota == q_iota).astype(jnp.float32)
    exf_ref[...] = jnp.dot(ex, sel, preferred_element_type=jnp.float32)


def _kv_score(h_src, edge_feat, td2, qe, wa, wb, wc, bkv, tw, tb):
    grid = (E // TE,)
    return pl.pallas_call(
        _kv_body,
        grid=grid,
        in_specs=[
            pl.BlockSpec((TE, DN), lambda i: (i, 0)),
            pl.BlockSpec((TE, DE), lambda i: (i, 0)),
            pl.BlockSpec((TE, 1), lambda i: (i, 0)),
            pl.BlockSpec((TE, DO), lambda i: (i, 0)),
            pl.BlockSpec((2 * DO, DN), lambda i: (0, 0)),
            pl.BlockSpec((2 * DO, DE), lambda i: (0, 0)),
            pl.BlockSpec((2 * DO, DT), lambda i: (0, 0)),
            pl.BlockSpec((1, 2 * DO), lambda i: (0, 0)),
            pl.BlockSpec((1, DT), lambda i: (0, 0)),
            pl.BlockSpec((1, DT), lambda i: (0, 0)),
        ],
        out_specs=[
            pl.BlockSpec((TE, DO), lambda i: (i, 0)),
            pl.BlockSpec((TE, DO), lambda i: (i, 0)),
        ],
        out_shape=[
            jax.ShapeDtypeStruct((E, DO), jnp.float32),
            jax.ShapeDtypeStruct((E, DO), jnp.float32),
        ],
    )(h_src, edge_feat, td2, qe, wa, wb, wc, bkv, tw, tb)



def _scatter2_body(ov_hbm, ex_hbm, idx2_hbm, z_hbm, agg_hbm, den_hbm,
                   tab_sh, r0, r1, i0, i1, l0, l1, s0, s1):
    cid = lax.axis_index("c")
    sid = lax.axis_index("s")
    row0 = sid * ROWS_PER_TILE
    pltpu.sync_copy(z_hbm, r0)
    for k in range(ROWS_PER_TILE // SCHUNK):
        pltpu.sync_copy(r0, tab_sh.at[pl.ds(row0 + k * SCHUNK, SCHUNK)])
    plsc.subcore_barrier()

    def load(src_hbm, c, rbuf, ibuf, lsem):
        pltpu.async_copy(idx2_hbm.at[pl.ds(c, 1)], ibuf, lsem)
        pltpu.async_copy(src_hbm.at[pl.ds(c * SCHUNK, SCHUNK)], rbuf, lsem)

    def wait_load(rbuf, ibuf, lsem):
        pltpu.make_async_copy(idx2_hbm.at[pl.ds(0, 1)], ibuf, lsem).wait()
        pltpu.make_async_copy(ov_hbm.at[pl.ds(0, SCHUNK)], rbuf, lsem).wait()

    def branch(src_hbm):
        def start(c, rbuf, ibuf, lsem):
            @pl.when(c < NSCC)
            def _():
                load(src_hbm, c, rbuf, ibuf, lsem)

        start(sid, r0, i0, l0)
        start(NS + sid, r1, i1, l1)

        def pair(t, carry):
            c0 = (2 * t) * NS + sid
            c1 = (2 * t + 1) * NS + sid

            @pl.when(c0 < NSCC)
            def _():
                wait_load(r0, i0, l0)
                pltpu.async_copy(r0, tab_sh.at[i0.at[0]], s0, add=True)

            @pl.when(c1 < NSCC)
            def _():
                wait_load(r1, i1, l1)
                pltpu.async_copy(r1, tab_sh.at[i1.at[0]], s1, add=True)

            @pl.when(c0 < NSCC)
            def _():
                pltpu.make_async_copy(r0, tab_sh.at[i0.at[0]], s0).wait()

            start(c0 + 2 * NS, r0, i0, l0)

            @pl.when(c1 < NSCC)
            def _():
                pltpu.make_async_copy(r1, tab_sh.at[i1.at[0]], s1).wait()

            start(c1 + 2 * NS, r1, i1, l1)
            return carry

        lax.fori_loop(0, (NSCC // NS + 2) // 2, pair, 0)

    @pl.when(cid == 0)
    def _():
        branch(ov_hbm)

    @pl.when(cid == 1)
    def _():
        branch(ex_hbm)

    plsc.subcore_barrier()
    for k in range(ROWS_PER_TILE // SCHUNK):
        r = row0 + k * SCHUNK
        pltpu.sync_copy(tab_sh.at[pl.ds(r, SCHUNK)], r0)

        @pl.when(cid == 0)
        def _():
            pltpu.sync_copy(r0, agg_hbm.at[pl.ds(r, SCHUNK)])

        @pl.when(cid == 1)
        def _():
            pltpu.sync_copy(r0, den_hbm.at[pl.ds(r, SCHUNK)])


def _sc_scatter2(ov, expos, idx2, z):
    mesh = plsc.VectorSubcoreMesh(core_axis_name="c", subcore_axis_name="s")
    return pl.kernel(
        _scatter2_body,
        out_type=[jax.ShapeDtypeStruct((NPAD, DO), jnp.float32),
                  jax.ShapeDtypeStruct((NPAD, DO), jnp.float32)],
        mesh=mesh,
        scratch_types=[
            pltpu.VMEM_SHARED((NPAD, DO), jnp.float32),
            pltpu.VMEM((SCHUNK, DO), jnp.float32),
            pltpu.VMEM((SCHUNK, DO), jnp.float32),
            pltpu.VMEM((1, SCHUNK), jnp.int32),
            pltpu.VMEM((1, SCHUNK), jnp.int32),
            pltpu.SemaphoreType.DMA,
            pltpu.SemaphoreType.DMA,
            pltpu.SemaphoreType.DMA,
            pltpu.SemaphoreType.DMA,
        ],
    )(ov, expos, idx2, z)



def _final_body(aggp_ref, denp_ref, hd_ref, wo1_ref, wo2_ref, bo_ref,
                g_ref, b_ref, out_ref):
    agg = aggp_ref[...]
    den = denp_ref[:, :H]

    d_iota = lax.broadcasted_iota(jnp.int32, (H, DO), 1) // HD
    h_iota = lax.broadcasted_iota(jnp.int32, (H, DO), 0)
    bdt = (d_iota == h_iota).astype(jnp.float32)
    dene = jnp.dot(den, bdt, preferred_element_type=jnp.float32)
    agg = agg / (dene + 1e-16)
    out = jnp.dot(agg, wo1_ref[...].T, preferred_element_type=jnp.float32)
    out += jnp.dot(hd_ref[...], wo2_ref[...].T, preferred_element_type=jnp.float32)
    out += bo_ref[...]
    out = jnp.maximum(out, 0.0)
    mu = jnp.mean(out, axis=-1, keepdims=True)
    var = jnp.mean((out - mu) ** 2, axis=-1, keepdims=True)
    out_ref[...] = (out - mu) / jnp.sqrt(var + 1e-5) * g_ref[...] + b_ref[...]


def _final(aggp, denp, h_dst, wo1, wo2, bo, g, b):
    grid = (N // NB,)
    return pl.pallas_call(
        _final_body,
        grid=grid,
        in_specs=[
            pl.BlockSpec((NB, DO), lambda i: (i, 0)),
            pl.BlockSpec((NB, DO), lambda i: (i, 0)),
            pl.BlockSpec((NB, DN), lambda i: (i, 0)),
            pl.BlockSpec((DO, DO), lambda i: (0, 0)),
            pl.BlockSpec((DO, DN), lambda i: (0, 0)),
            pl.BlockSpec((1, DO), lambda i: (0, 0)),
            pl.BlockSpec((1, DO), lambda i: (0, 0)),
            pl.BlockSpec((1, DO), lambda i: (0, 0)),
        ],
        out_specs=pl.BlockSpec((NB, DO), lambda i: (i, 0)),
        out_shape=jax.ShapeDtypeStruct((N, DO), jnp.float32),
    )(aggp, denp, h_dst, wo1, wo2, bo, g, b)



def kernel(h_dst, h_src, edge_feat, time_deltas, dst_idx,
           time_w, time_b, Wq, bq, Wkv, bkv, Wout, bout, ln_g, ln_b):
    ztf = jnp.cos(time_b)[None, :]
    q = _q_proj(h_dst, ztf, Wq[:, :DN], Wq[:, DN:], bq[None, :])
    qe = _sc_gather(q, dst_idx)
    outv, exf = _kv_score(
        h_src, edge_feat, time_deltas[:, None], qe,
        Wkv[:, :DN], Wkv[:, DN:DN + DE], Wkv[:, DN + DE:],
        bkv[None, :], time_w[None, :], time_b[None, :])
    idx2 = dst_idx.reshape(E // SCHUNK, SCHUNK)
    zv = jnp.zeros((SCHUNK, DO), jnp.float32)
    aggp, denp = _sc_scatter2(outv, exf, idx2, zv)
    return _final(aggp, denp, h_dst, Wout[:, :DO], Wout[:, DO:],
                  bout[None, :], ln_g[None, :], ln_b[None, :])

# --- scband reference (transcript-rebuilt; emitter-appended) ---
"""Pipeline reference for scband-temporal-attn-layer-13838384628055 (READ-ONLY COPY).

The authoritative reference and input builder live on the scoring server;
editing this copy changes nothing except your own understanding.
"""

import jax, jax.numpy as jnp
import numpy as np

N = 10000      # num dst nodes
E = 320000     # num edges (one sampled src neighbor per edge)
DN = 128       # dim_node
DE = 16        # dim_edge
DT = 32        # dim_time
DO = 128       # dim_out
H = 8          # num_heads


def setup_inputs(seed: int = 0) -> dict:
    key = jax.random.key(seed)
    ks = jax.random.split(key, 8)
    h_dst = jax.random.normal(ks[0], (N, DN), dtype=jnp.float32)
    h_src = jax.random.normal(ks[1], (E, DN), dtype=jnp.float32)
    edge_feat = jax.random.normal(ks[2], (E, DE), dtype=jnp.float32)
    time_deltas = jax.random.uniform(ks[3], (E,), dtype=jnp.float32) * 100.0
    dst_idx = jnp.sort(jax.random.randint(ks[4], (E,), 0, N, dtype=jnp.int32))
    # TimeEncode parameters (fixed init per the torch module)
    time_w = jnp.asarray(1.0 / (10.0 ** np.linspace(0, 9, DT)), dtype=jnp.float32)
    time_b = jnp.zeros((DT,), dtype=jnp.float32)
    def lin(k, fan_out, fan_in):
        return jax.random.normal(k, (fan_out, fan_in), dtype=jnp.float32) * (1.0 / np.sqrt(fan_in))
    Wq = lin(ks[5], DO, DN + DT)
    bq = jnp.zeros((DO,), dtype=jnp.float32)
    Wkv = lin(ks[6], 2 * DO, DN + DE + DT)
    bkv = jnp.zeros((2 * DO,), dtype=jnp.float32)
    Wout = lin(ks[7], DO, DN + DO)
    bout = jnp.zeros((DO,), dtype=jnp.float32)
    ln_g = jnp.ones((DO,), dtype=jnp.float32)
    ln_b = jnp.zeros((DO,), dtype=jnp.float32)
    return dict(h_dst=h_dst, h_src=h_src, edge_feat=edge_feat,
                time_deltas=time_deltas, dst_idx=dst_idx,
                time_w=time_w, time_b=time_b, Wq=Wq, bq=bq,
                Wkv=Wkv, bkv=bkv, Wout=Wout, bout=bout,
                ln_g=ln_g, ln_b=ln_b)


def reference(h_dst, h_src, edge_feat, time_deltas, dst_idx,
              time_w, time_b, Wq, bq, Wkv, bkv, Wout, bout, ln_g, ln_b):
    # TimeEncode: cos(Linear(ts))
    zero_tf = jnp.cos(jnp.zeros((h_dst.shape[0], 1), dtype=h_dst.dtype) * time_w[None, :] + time_b[None, :])
    nbr_tf = jnp.cos(time_deltas[:, None] * time_w[None, :] + time_b[None, :])
    # Q from dst nodes, K/V from per-edge src features
    Q = jnp.concatenate([h_dst, zero_tf], axis=1) @ Wq.T + bq
    Z = jnp.concatenate([h_src, edge_feat, nbr_tf], axis=1) @ Wkv.T + bkv
    K = Z[:, :DO]
    V = Z[:, DO:]
    # edge_view: gather per-dst Q onto edges
    Qe = jnp.take(Q, dst_idx, axis=0)
    Qe = Qe.reshape(E, H, DO // H)
    Kh = K.reshape(E, H, DO // H)
    Vh = V.reshape(E, H, DO // H)
    attn = jnp.sum(Qe * Kh, axis=2)            # [E, H]
    attn = jnp.where(attn >= 0, attn, 0.2 * attn)  # LeakyReLU(0.2)
    # edge_softmax: softmax over edges grouped by dst node
    m = jax.ops.segment_max(attn, dst_idx, num_segments=N)
    m = jnp.where(jnp.isfinite(m), m, 0.0)
    ex = jnp.exp(attn - jnp.take(m, dst_idx, axis=0))
    den = jax.ops.segment_sum(ex, dst_idx, num_segments=N)
    attn = ex / (jnp.take(den, dst_idx, axis=0) + 1e-16)
    # dropout in eval mode = identity
    outv = (Vh * attn[:, :, None]).reshape(E, DO)
    agg = jax.ops.segment_sum(outv, dst_idx, num_segments=N)  # edge_reduce sum
    out = jnp.concatenate([agg, h_dst], axis=1) @ Wout.T + bout
    out = jax.nn.relu(out)
    mu = jnp.mean(out, axis=-1, keepdims=True)
    var = jnp.var(out, axis=-1, keepdims=True)
    out = (out - mu) / jnp.sqrt(var + 1e-5) * ln_g + ln_b
    return out

if __name__ == "__main__":
    import jax
    _d = setup_inputs()
    print(jax.jit(kernel)(*tuple(_d.values())))

</pallas_src>

<mosaic_0001>
#map = affine_map<(d0, d1) -> (0, 0)>
module attributes {stable_mosaic.version = 14 : i64} {
  func.func @_scatter2_body(%arg0: i32, %arg1: i32, %arg2: memref<320000x128xf32, #tpu.memory_space<hbm>>, %arg3: memref<320000x128xf32, #tpu.memory_space<hbm>>, %arg4: memref<2500x128xi32, #tpu.memory_space<hbm>>, %arg5: memref<128x128xf32, #tpu.memory_space<hbm>>, %arg6: memref<10240x128xf32, #tpu.memory_space<hbm>>, %arg7: memref<10240x128xf32, #tpu.memory_space<hbm>>, %arg8: memref<10240x128xf32, #tpu.memory_space<vmem_shared>>, %arg9: memref<128x128xf32, #tpu.memory_space<vmem>>, %arg10: memref<128x128xf32, #tpu.memory_space<vmem>>, %arg11: memref<1x128xi32, #tpu.memory_space<vmem>>, %arg12: memref<1x128xi32, #tpu.memory_space<vmem>>, %arg13: memref<!tpu.dma_semaphore, #tpu.memory_space<semaphore_mem>>, %arg14: memref<!tpu.dma_semaphore, #tpu.memory_space<semaphore_mem>>, %arg15: memref<!tpu.dma_semaphore, #tpu.memory_space<semaphore_mem>>, %arg16: memref<!tpu.dma_semaphore, #tpu.memory_space<semaphore_mem>>) attributes {dimension_semantics = [#tpu.dimension_semantics<core_parallel>, #tpu.dimension_semantics<subcore_parallel>], iteration_bounds = array<i64: 2, 16>, scalar_prefetch = 0 : i64, scratch_operands = 9 : i64, tpu.core_type = #tpu.core_type<sc_vector_subcore>, window_params = [{transform_indices = #map}, {transform_indices = #map}, {transform_indices = #map}, {transform_indices = #map}, {transform_indices = #map}, {transform_indices = #map}]} {
    %mul3A = arith.constant 640 : i32
    %mul3A_0 = arith.muli %arg1, %mul3A : i32
    "tpu.region"() ({
      %run_scoped3A = tpu.sem_alloc : memref<!tpu.dma_semaphore, #tpu.memory_space<semaphore_mem>>
      tpu.enqueue_dma source(%arg5 : memref<128x128xf32, #tpu.memory_space<hbm>>) target(%arg9 : memref<128x128xf32, #tpu.memory_space<vmem>>) target_semaphore(%run_scoped3A : memref<!tpu.dma_semaphore, #tpu.memory_space<semaphore_mem>>)
      tpu.wait_dma2 semaphore(%run_scoped3A : memref<!tpu.dma_semaphore, #tpu.memory_space<semaphore_mem>>) src(%arg5 : memref<128x128xf32, #tpu.memory_space<hbm>>) dst(%arg9 : memref<128x128xf32, #tpu.memory_space<vmem>>)
      tpu.yield
    }) : () -> ()
    %add3A = arith.constant 0 : i32
    %add3A_1 = arith.addi %mul3A_0, %add3A : i32
    "tpu.region"() ({
      %run_scoped3A = tpu.sem_alloc : memref<!tpu.dma_semaphore, #tpu.memory_space<semaphore_mem>>
      %dma_start3A = arith.constant 0 : i32
      %dma_start3A_78 = tpu.memref_slice %arg8[%add3A_1, %dma_start3A] : memref<10240x128xf32, #tpu.memory_space<vmem_shared>> -> memref<128x128xf32, #tpu.memory_space<vmem_shared>>
      %dma_start3A_79 = arith.constant 0 : i32
      %dma_start3A_80 = tpu.memref_slice %arg8[%add3A_1, %dma_start3A_79] : memref<10240x128xf32, #tpu.memory_space<vmem_shared>> -> memref<128x128xf32, #tpu.memory_space<vmem_shared>>
      tpu.enqueue_dma source(%arg9 : memref<128x128xf32, #tpu.memory_space<vmem>>) target(%dma_start3A_80 : memref<128x128xf32, #tpu.memory_space<vmem_shared>>) target_semaphore(%run_scoped3A : memref<!tpu.dma_semaphore, #tpu.memory_space<semaphore_mem>>)
      %dma_wait3A = arith.constant 0 : i32
      %dma_wait3A_81 = tpu.memref_slice %arg8[%add3A_1, %dma_wait3A] : memref<10240x128xf32, #tpu.memory_space<vmem_shared>> -> memref<128x128xf32, #tpu.memory_space<vmem_shared>>
      %dma_wait3A_82 = arith.constant 0 : i32
      %dma_wait3A_83 = tpu.memref_slice %arg8[%add3A_1, %dma_wait3A_82] : memref<10240x128xf32, #tpu.memory_space<vmem_shared>> -> memref<128x128xf32, #tpu.memory_space<vmem_shared>>
      tpu.wait_dma2 semaphore(%run_scoped3A : memref<!tpu.dma_semaphore, #tpu.memory_space<semaphore_mem>>) src(%arg9 : memref<128x128xf32, #tpu.memory_space<vmem>>) dst(%dma_wait3A_83 : memref<128x128xf32, #tpu.memory_space<vmem_shared>>)
      tpu.yield
    }) : () -> ()
    %add3A_2 = arith.constant 128 : i32
    %add3A_3 = arith.addi %mul3A_0, %add3A_2 : i32
    "tpu.region"() ({
      %run_scoped3A = tpu.sem_alloc : memref<!tpu.dma_semaphore, #tpu.memory_space<semaphore_mem>>
      %dma_start3A = arith.constant 0 : i32
      %dma_start3A_78 = tpu.memref_slice %arg8[%add3A_3, %dma_start3A] : memref<10240x128xf32, #tpu.memory_space<vmem_shared>> -> memref<128x128xf32, #tpu.memory_space<vmem_shared>>
      %dma_start3A_79 = arith.constant 0 : i32
      %dma_start3A_80 = tpu.memref_slice %arg8[%add3A_3, %dma_start3A_79] : memref<10240x128xf32, #tpu.memory_space<vmem_shared>> -> memref<128x128xf32, #tpu.memory_space<vmem_shared>>
      tpu.enqueue_dma source(%arg9 : memref<128x128xf32, #tpu.memory_space<vmem>>) target(%dma_start3A_80 : memref<128x128xf32, #tpu.memory_space<vmem_shared>>) target_semaphore(%run_scoped3A : memref<!tpu.dma_semaphore, #tpu.memory_space<semaphore_mem>>)
      %dma_wait3A = arith.constant 0 : i32
      %dma_wait3A_81 = tpu.memref_slice %arg8[%add3A_3, %dma_wait3A] : memref<10240x128xf32, #tpu.memory_space<vmem_shared>> -> memref<128x128xf32, #tpu.memory_space<vmem_shared>>
      %dma_wait3A_82 = arith.constant 0 : i32
      %dma_wait3A_83 = tpu.memref_slice %arg8[%add3A_3, %dma_wait3A_82] : memref<10240x128xf32, #tpu.memory_space<vmem_shared>> -> memref<128x128xf32, #tpu.memory_space<vmem_shared>>
      tpu.wait_dma2 semaphore(%run_scoped3A : memref<!tpu.dma_semaphore, #tpu.memory_space<semaphore_mem>>) src(%arg9 : memref<128x128xf32, #tpu.memory_space<vmem>>) dst(%dma_wait3A_83 : memref<128x128xf32, #tpu.memory_space<vmem_shared>>)
      tpu.yield
    }) : () -> ()
    %add3A_4 = arith.constant 256 : i32
    %add3A_5 = arith.addi %mul3A_0, %add3A_4 : i32
    "tpu.region"() ({
      %run_scoped3A = tpu.sem_alloc : memref<!tpu.dma_semaphore, #tpu.memory_space<semaphore_mem>>
      %dma_start3A = arith.constant 0 : i32
      %dma_start3A_78 = tpu.memref_slice %arg8[%add3A_5, %dma_start3A] : memref<10240x128xf32, #tpu.memory_space<vmem_shared>> -> memref<128x128xf32, #tpu.memory_space<vmem_shared>>
      %dma_start3A_79 = arith.constant 0 : i32
      %dma_start3A_80 = tpu.memref_slice %arg8[%add3A_5, %dma_start3A_79] : memref<10240x128xf32, #tpu.memory_space<vmem_shared>> -> memref<128x128xf32, #tpu.memory_space<vmem_shared>>
      tpu.enqueue_dma source(%arg9 : memref<128x128xf32, #tpu.memory_space<vmem>>) target(%dma_start3A_80 : memref<128x128xf32, #tpu.memory_space<vmem_shared>>) target_semaphore(%run_scoped3A : memref<!tpu.dma_semaphore, #tpu.memory_space<semaphore_mem>>)
      %dma_wait3A = arith.constant 0 : i32
      %dma_wait3A_81 = tpu.memref_slice %arg8[%add3A_5, %dma_wait3A] : memref<10240x128xf32, #tpu.memory_space<vmem_shared>> -> memref<128x128xf32, #tpu.memory_space<vmem_shared>>
      %dma_wait3A_82 = arith.constant 0 : i32
      %dma_wait3A_83 = tpu.memref_slice %arg8[%add3A_5, %dma_wait3A_82] : memref<10240x128xf32, #tpu.memory_space<vmem_shared>> -> memref<128x128xf32, #tpu.memory_space<vmem_shared>>
      tpu.wait_dma2 semaphore(%run_scoped3A : memref<!tpu.dma_semaphore, #tpu.memory_space<semaphore_mem>>) src(%arg9 : memref<128x128xf32, #tpu.memory_space<vmem>>) dst(%dma_wait3A_83 : memref<128x128xf32, #tpu.memory_space<vmem_shared>>)
      tpu.yield
    }) : () -> ()
    %add3A_6 = arith.constant 384 : i32
    %add3A_7 = arith.addi %mul3A_0, %add3A_6 : i32
    "tpu.region"() ({
      %run_scoped3A = tpu.sem_alloc : memref<!tpu.dma_semaphore, #tpu.memory_space<semaphore_mem>>
      %dma_start3A = arith.constant 0 : i32
      %dma_start3A_78 = tpu.memref_slice %arg8[%add3A_7, %dma_start3A] : memref<10240x128xf32, #tpu.memory_space<vmem_shared>> -> memref<128x128xf32, #tpu.memory_space<vmem_shared>>
      %dma_start3A_79 = arith.constant 0 : i32
      %dma_start3A_80 = tpu.memref_slice %arg8[%add3A_7, %dma_start3A_79] : memref<10240x128xf32, #tpu.memory_space<vmem_shared>> -> memref<128x128xf32, #tpu.memory_space<vmem_shared>>
      tpu.enqueue_dma source(%arg9 : memref<128x128xf32, #tpu.memory_space<vmem>>) target(%dma_start3A_80 : memref<128x128xf32, #tpu.memory_space<vmem_shared>>) target_semaphore(%run_scoped3A : memref<!tpu.dma_semaphore, #tpu.memory_space<semaphore_mem>>)
      %dma_wait3A = arith.constant 0 : i32
      %dma_wait3A_81 = tpu.memref_slice %arg8[%add3A_7, %dma_wait3A] : memref<10240x128xf32, #tpu.memory_space<vmem_shared>> -> memref<128x128xf32, #tpu.memory_space<vmem_shared>>
      %dma_wait3A_82 = arith.constant 0 : i32
      %dma_wait3A_83 = tpu.memref_slice %arg8[%add3A_7, %dma_wait3A_82] : memref<10240x128xf32, #tpu.memory_space<vmem_shared>> -> memref<128x128xf32, #tpu.memory_space<vmem_shared>>
      tpu.wait_dma2 semaphore(%run_scoped3A : memref<!tpu.dma_semaphore, #tpu.memory_space<semaphore_mem>>) src(%arg9 : memref<128x128xf32, #tpu.memory_space<vmem>>) dst(%dma_wait3A_83 : memref<128x128xf32, #tpu.memory_space<vmem_shared>>)
      tpu.yield
    }) : () -> ()
    %add3A_8 = arith.constant 512 : i32
    %add3A_9 = arith.addi %mul3A_0, %add3A_8 : i32
    "tpu.region"() ({
      %run_scoped3A = tpu.sem_alloc : memref<!tpu.dma_semaphore, #tpu.memory_space<semaphore_mem>>
      %dma_start3A = arith.constant 0 : i32
      %dma_start3A_78 = tpu.memref_slice %arg8[%add3A_9, %dma_start3A] : memref<10240x128xf32, #tpu.memory_space<vmem_shared>> -> memref<128x128xf32, #tpu.memory_space<vmem_shared>>
      %dma_start3A_79 = arith.constant 0 : i32
      %dma_start3A_80 = tpu.memref_slice %arg8[%add3A_9, %dma_start3A_79] : memref<10240x128xf32, #tpu.memory_space<vmem_shared>> -> memref<128x128xf32, #tpu.memory_space<vmem_shared>>
      tpu.enqueue_dma source(%arg9 : memref<128x128xf32, #tpu.memory_space<vmem>>) target(%dma_start3A_80 : memref<128x128xf32, #tpu.memory_space<vmem_shared>>) target_semaphore(%run_scoped3A : memref<!tpu.dma_semaphore, #tpu.memory_space<semaphore_mem>>)
      %dma_wait3A = arith.constant 0 : i32
      %dma_wait3A_81 = tpu.memref_slice %arg8[%add3A_9, %dma_wait3A] : memref<10240x128xf32, #tpu.memory_space<vmem_shared>> -> memref<128x128xf32, #tpu.memory_space<vmem_shared>>
      %dma_wait3A_82 = arith.constant 0 : i32
      %dma_wait3A_83 = tpu.memref_slice %arg8[%add3A_9, %dma_wait3A_82] : memref<10240x128xf32, #tpu.memory_space<vmem_shared>> -> memref<128x128xf32, #tpu.memory_space<vmem_shared>>
      tpu.wait_dma2 semaphore(%run_scoped3A : memref<!tpu.dma_semaphore, #tpu.memory_space<semaphore_mem>>) src(%arg9 : memref<128x128xf32, #tpu.memory_space<vmem>>) dst(%dma_wait3A_83 : memref<128x128xf32, #tpu.memory_space<vmem_shared>>)
      tpu.yield
    }) : () -> ()
    %barrier3A = arith.constant 0 : index
    tpu.barrier barrier_id(%barrier3A)
    %eq3A = arith.constant 0 : i32
    %eq3A_10 = arith.cmpi eq, %arg0, %eq3A : i32
    %convert_element_type3A = arith.extui %eq3A_10 : i1 to i32
    %cond3A = arith.constant 0 : i32
    %cond3A_11 = arith.cmpi ne, %convert_element_type3A, %cond3A : i32
    scf.if %cond3A_11 {
      %lt3A = arith.constant 2500 : i32
      %lt3A_78 = arith.cmpi slt, %arg1, %lt3A : i32
      %convert_element_type3A_79 = arith.extui %lt3A_78 : i1 to i32
      %cond3A_80 = arith.constant 0 : i32
      %cond3A_81 = arith.cmpi ne, %convert_element_type3A_79, %cond3A_80 : i32
      scf.if %cond3A_81 {
        %dma_start3A = arith.constant 0 : i32
        %dma_start3A_94 = tpu.memref_slice %arg4[%arg1, %dma_start3A] : memref<2500x128xi32, #tpu.memory_space<hbm>> -> memref<1x128xi32, #tpu.memory_space<hbm>>
        %dma_start3A_95 = arith.constant 0 : i32
        %dma_start3A_96 = tpu.memref_slice %arg4[%arg1, %dma_start3A_95] : memref<2500x128xi32, #tpu.memory_space<hbm>> -> memref<1x128xi32, #tpu.memory_space<hbm>>
        tpu.enqueue_dma source(%dma_start3A_96 : memref<1x128xi32, #tpu.memory_space<hbm>>) target(%arg11 : memref<1x128xi32, #tpu.memory_space<vmem>>) target_semaphore(%arg13 : memref<!tpu.dma_semaphore, #tpu.memory_space<semaphore_mem>>)
        %mul3A_97 = arith.constant 128 : i32
        %mul3A_98 = arith.muli %arg1, %mul3A_97 : i32
        %dma_start3A_99 = arith.constant 0 : i32
        %dma_start3A_100 = tpu.memref_slice %arg2[%mul3A_98, %dma_start3A_99] : memref<320000x128xf32, #tpu.memory_space<hbm>> -> memref<128x128xf32, #tpu.memory_space<hbm>>
        %dma_start3A_101 = arith.constant 0 : i32
        %dma_start3A_102 = tpu.memref_slice %arg2[%mul3A_98, %dma_start3A_101] : memref<320000x128xf32, #tpu.memory_space<hbm>> -> memref<128x128xf32, #tpu.memory_space<hbm>>
        tpu.enqueue_dma source(%dma_start3A_102 : memref<128x128xf32, #tpu.memory_space<hbm>>) target(%arg9 : memref<128x128xf32, #tpu.memory_space<vmem>>) target_semaphore(%arg13 : memref<!tpu.dma_semaphore, #tpu.memory_space<semaphore_mem>>)
      } else {
      }
      %add3A_82 = arith.constant 16 : i32
      %add3A_83 = arith.addi %add3A_82, %arg1 : i32
      %lt3A_84 = arith.constant 2500 : i32
      %lt3A_85 = arith.cmpi slt, %add3A_83, %lt3A_84 : i32
      %convert_element_type3A_86 = arith.extui %lt3A_85 : i1 to i32
      %cond3A_87 = arith.constant 0 : i32
      %cond3A_88 = arith.cmpi ne, %convert_element_type3A_86, %cond3A_87 : i32
      scf.if %cond3A_88 {
        %dma_start3A = arith.constant 0 : i32
        %dma_start3A_94 = tpu.memref_slice %arg4[%add3A_83, %dma_start3A] : memref<2500x128xi32, #tpu.memory_space<hbm>> -> memref<1x128xi32, #tpu.memory_space<hbm>>
        %dma_start3A_95 = arith.constant 0 : i32
        %dma_start3A_96 = tpu.memref_slice %arg4[%add3A_83, %dma_start3A_95] : memref<2500x128xi32, #tpu.memory_space<hbm>> -> memref<1x128xi32, #tpu.memory_space<hbm>>
        tpu.enqueue_dma source(%dma_start3A_96 : memref<1x128xi32, #tpu.memory_space<hbm>>) target(%arg12 : memref<1x128xi32, #tpu.memory_space<vmem>>) target_semaphore(%arg14 : memref<!tpu.dma_semaphore, #tpu.memory_space<semaphore_mem>>)
        %mul3A_97 = arith.constant 128 : i32
        %mul3A_98 = arith.muli %add3A_83, %mul3A_97 : i32
        %dma_start3A_99 = arith.constant 0 : i32
        %dma_start3A_100 = tpu.memref_slice %arg2[%mul3A_98, %dma_start3A_99] : memref<320000x128xf32, #tpu.memory_space<hbm>> -> memref<128x128xf32, #tpu.memory_space<hbm>>
        %dma_start3A_101 = arith.constant 0 : i32
        %dma_start3A_102 = tpu.memref_slice %arg2[%mul3A_98, %dma_start3A_101] : memref<320000x128xf32, #tpu.memory_space<hbm>> -> memref<128x128xf32, #tpu.memory_space<hbm>>
        tpu.enqueue_dma source(%dma_start3A_102 : memref<128x128xf32, #tpu.memory_space<hbm>>) target(%arg10 : memref<128x128xf32, #tpu.memory_space<vmem>>) target_semaphore(%arg14 : memref<!tpu.dma_semaphore, #tpu.memory_space<semaphore_mem>>)
      } else {
      }
      %scan3A = arith.constant 0 : i32
      %scan3A_89 = arith.constant 0 : i32
      %scan3A_90 = arith.constant 79 : i32
      %scan3A_91 = arith.addi %scan3A_89, %scan3A_90 : i32
      %scan3A_92 = arith.constant 1 : i32
      scf.for %scan3A_94 = %scan3A_89 to %scan3A_91 step %scan3A_92  : i32 {
        %mul3A_95 = arith.constant 2 : i32
        %mul3A_96 = arith.muli %mul3A_95, %scan3A_94 : i32
        %mul3A_97 = arith.constant 16 : i32
        %mul3A_98 = arith.muli %mul3A_96, %mul3A_97 : i32
        %add3A_99 = arith.addi %mul3A_98, %arg1 : i32
        %mul3A_100 = arith.constant 2 : i32
        %mul3A_101 = arith.muli %mul3A_100, %scan3A_94 : i32
        %add3A_102 = arith.constant 1 : i32
        %add3A_103 = arith.addi %mul3A_101, %add3A_102 : i32
        %mul3A_104 = arith.constant 16 : i32
        %mul3A_105 = arith.muli %add3A_103, %mul3A_104 : i32
        %add3A_106 = arith.addi %mul3A_105, %arg1 : i32
        %lt3A_107 = arith.constant 2500 : i32
        %lt3A_108 = arith.cmpi slt, %add3A_99, %lt3A_107 : i32
        %convert_element_type3A_109 = arith.extui %lt3A_108 : i1 to i32
        %cond3A_110 = arith.constant 0 : i32
        %cond3A_111 = arith.cmpi ne, %convert_element_type3A_109, %cond3A_110 : i32
        scf.if %cond3A_111 {
          %dma_wait3A = arith.constant 0 : i32
          %dma_wait3A_141 = arith.constant 0 : i32
          %dma_wait3A_142 = tpu.memref_slice %arg4[%dma_wait3A, %dma_wait3A_141] : memref<2500x128xi32, #tpu.memory_space<hbm>> -> memref<1x128xi32, #tpu.memory_space<hbm>>
          %dma_wait3A_143 = arith.constant 0 : i32
          %dma_wait3A_144 = arith.constant 0 : i32
          %dma_wait3A_145 = tpu.memref_slice %arg4[%dma_wait3A_143, %dma_wait3A_144] : memref<2500x128xi32, #tpu.memory_space<hbm>> -> memref<1x128xi32, #tpu.memory_space<hbm>>
          tpu.wait_dma2 semaphore(%arg13 : memref<!tpu.dma_semaphore, #tpu.memory_space<semaphore_mem>>) src(%dma_wait3A_145 : memref<1x128xi32, #tpu.memory_space<hbm>>) dst(%arg11 : memref<1x128xi32, #tpu.memory_space<vmem>>)
          %dma_wait3A_146 = arith.constant 0 : i32
          %dma_wait3A_147 = arith.constant 0 : i32
          %dma_wait3A_148 = tpu.memref_slice %arg2[%dma_wait3A_146, %dma_wait3A_147] : memref<320000x128xf32, #tpu.memory_space<hbm>> -> memref<128x128xf32, #tpu.memory_space<hbm>>
          %dma_wait3A_149 = arith.constant 0 : i32
          %dma_wait3A_150 = arith.constant 0 : i32
          %dma_wait3A_151 = tpu.memref_slice %arg2[%dma_wait3A_149, %dma_wait3A_150] : memref<320000x128xf32, #tpu.memory_space<hbm>> -> memref<128x128xf32, #tpu.memory_space<hbm>>
          tpu.wait_dma2 semaphore(%arg13 : memref<!tpu.dma_semaphore, #tpu.memory_space<semaphore_mem>>) src(%dma_wait3A_151 : memref<128x128xf32, #tpu.memory_space<hbm>>) dst(%arg9 : memref<128x128xf32, #tpu.memory_space<vmem>>)
          %dma_start3A = arith.constant 0 : i32
          %dma_start3A_152 = arith.constant 0 : i32
          %dma_start3A_153 = tpu.memref_slice %arg11[%dma_start3A, %dma_start3A_152] : memref<1x128xi32, #tpu.memory_space<vmem>> -> memref<1x128xi32, #tpu.memory_space<vmem>>
          %dma_start3A_154 = tpu.memref_squeeze %dma_start3A_153 : memref<1x128xi32, #tpu.memory_space<vmem>> -> memref<128xi32, #tpu.memory_space<vmem>>
          %dma_start3A_155 = arith.constant 0 : i32
          %dma_start3A_156 = arith.constant 0 : i32
          %dma_start3A_157 = tpu.memref_slice %arg8[%dma_start3A_155, %dma_start3A_156] : memref<10240x128xf32, #tpu.memory_space<vmem_shared>> -> memref<10240x128xf32, #tpu.memory_space<vmem_shared>>
          tpu.enqueue_indirect_dma source(%arg9 : memref<128x128xf32, #tpu.memory_space<vmem>>) target(%dma_start3A_157 : memref<10240x128xf32, #tpu.memory_space<vmem_shared>>) offsets(%dma_start3A_154 : memref<128xi32, #tpu.memory_space<vmem>>) semaphore(%arg15 : memref<!tpu.dma_semaphore, #tpu.memory_space<semaphore_mem>>) {add = true}
        } else {
        }
        %lt3A_112 = arith.constant 2500 : i32
        %lt3A_113 = arith.cmpi slt, %add3A_106, %lt3A_112 : i32
        %convert_element_type3A_114 = arith.extui %lt3A_113 : i1 to i32
        %cond3A_115 = arith.constant 0 : i32
        %cond3A_116 = arith.cmpi ne, %convert_element_type3A_114, %cond3A_115 : i32
        scf.if %cond3A_116 {
          %dma_wait3A = arith.constant 0 : i32
          %dma_wait3A_141 = arith.constant 0 : i32
          %dma_wait3A_142 = tpu.memref_slice %arg4[%dma_wait3A, %dma_wait3A_141] : memref<2500x128xi32, #tpu.memory_space<hbm>> -> memref<1x128xi32, #tpu.memory_space<hbm>>
          %dma_wait3A_143 = arith.constant 0 : i32
          %dma_wait3A_144 = arith.constant 0 : i32
          %dma_wait3A_145 = tpu.memref_slice %arg4[%dma_wait3A_143, %dma_wait3A_144] : memref<2500x128xi32, #tpu.memory_space<hbm>> -> memref<1x128xi32, #tpu.memory_space<hbm>>
          tpu.wait_dma2 semaphore(%arg14 : memref<!tpu.dma_semaphore, #tpu.memory_space<semaphore_mem>>) src(%dma_wait3A_145 : memref<1x128xi32, #tpu.memory_space<hbm>>) dst(%arg12 : memref<1x128xi32, #tpu.memory_space<vmem>>)
          %dma_wait3A_146 = arith.constant 0 : i32
          %dma_wait3A_147 = arith.constant 0 : i32
          %dma_wait3A_148 = tpu.memref_slice %arg2[%dma_wait3A_146, %dma_wait3A_147] : memref<320000x128xf32, #tpu.memory_space<hbm>> -> memref<128x128xf32, #tpu.memory_space<hbm>>
          %dma_wait3A_149 = arith.constant 0 : i32
          %dma_wait3A_150 = arith.constant 0 : i32
          %dma_wait3A_151 = tpu.memref_slice %arg2[%dma_wait3A_149, %dma_wait3A_150] : memref<320000x128xf32, #tpu.memory_space<hbm>> -> memref<128x128xf32, #tpu.memory_space<hbm>>
          tpu.wait_dma2 semaphore(%arg14 : memref<!tpu.dma_semaphore, #tpu.memory_space<semaphore_mem>>) src(%dma_wait3A_151 : memref<128x128xf32, #tpu.memory_space<hbm>>) dst(%arg10 : memref<128x128xf32, #tpu.memory_space<vmem>>)
          %dma_start3A = arith.constant 0 : i32
          %dma_start3A_152 = arith.constant 0 : i32
          %dma_start3A_153 = tpu.memref_slice %arg12[%dma_start3A, %dma_start3A_152] : memref<1x128xi32, #tpu.memory_space<vmem>> -> memref<1x128xi32, #tpu.memory_space<vmem>>
          %dma_start3A_154 = tpu.memref_squeeze %dma_start3A_153 : memref<1x128xi32, #tpu.memory_space<vmem>> -> memref<128xi32, #tpu.memory_space<vmem>>
          %dma_start3A_155 = arith.constant 0 : i32
          %dma_start3A_156 = arith.constant 0 : i32
          %dma_start3A_157 = tpu.memref_slice %arg8[%dma_start3A_155, %dma_start3A_156] : memref<10240x128xf32, #tpu.memory_space<vmem_shared>> -> memref<10240x128xf32, #tpu.memory_space<vmem_shared>>
          tpu.enqueue_indirect_dma source(%arg10 : memref<128x128xf32, #tpu.memory_space<vmem>>) target(%dma_start3A_157 : memref<10240x128xf32, #tpu.memory_space<vmem_shared>>) offsets(%dma_start3A_154 : memref<128xi32, #tpu.memory_space<vmem>>) semaphore(%arg16 : memref<!tpu.dma_semaphore, #tpu.memory_space<semaphore_mem>>) {add = true}
        } else {
        }
        %lt3A_117 = arith.constant 2500 : i32
        %lt3A_118 = arith.cmpi slt, %add3A_99, %lt3A_117 : i32
        %convert_element_type3A_119 = arith.extui %lt3A_118 : i1 to i32
        %cond3A_120 = arith.constant 0 : i32
        %cond3A_121 = arith.cmpi ne, %convert_element_type3A_119, %cond3A_120 : i32
        scf.if %cond3A_121 {
          %dma_wait3A = arith.constant 0 : i32
          %dma_wait3A_141 = arith.constant 0 : i32
          %dma_wait3A_142 = tpu.memref_slice %arg11[%dma_wait3A, %dma_wait3A_141] : memref<1x128xi32, #tpu.memory_space<vmem>> -> memref<1x128xi32, #tpu.memory_space<vmem>>
          %dma_wait3A_143 = tpu.memref_squeeze %dma_wait3A_142 : memref<1x128xi32, #tpu.memory_space<vmem>> -> memref<128xi32, #tpu.memory_space<vmem>>
          %dma_wait3A_144 = arith.constant 0 : i32
          %dma_wait3A_145 = arith.constant 0 : i32
          %dma_wait3A_146 = tpu.memref_slice %arg8[%dma_wait3A_144, %dma_wait3A_145] : memref<10240x128xf32, #tpu.memory_space<vmem_shared>> -> memref<10240x128xf32, #tpu.memory_space<vmem_shared>>
          tpu.wait_indirect_dma semaphore(%arg15 : memref<!tpu.dma_semaphore, #tpu.memory_space<semaphore_mem>>) src(%arg9 : memref<128x128xf32, #tpu.memory_space<vmem>>) dst(%dma_wait3A_146 : memref<10240x128xf32, #tpu.memory_space<vmem_shared>>)
        } else {
        }
        %add3A_122 = arith.constant 32 : i32
        %add3A_123 = arith.addi %add3A_99, %add3A_122 : i32
        %lt3A_124 = arith.constant 2500 : i32
        %lt3A_125 = arith.cmpi slt, %add3A_123, %lt3A_124 : i32
        %convert_element_type3A_126 = arith.extui %lt3A_125 : i1 to i32
        %cond3A_127 = arith.constant 0 : i32
        %cond3A_128 = arith.cmpi ne, %convert_element_type3A_126, %cond3A_127 : i32
        scf.if %cond3A_128 {
          %dma_start3A = arith.constant 0 : i32
          %dma_start3A_141 = tpu.memref_slice %arg4[%add3A_123, %dma_start3A] : memref<2500x128xi32, #tpu.memory_space<hbm>> -> memref<1x128xi32, #tpu.memory_space<hbm>>
          %dma_start3A_142 = arith.constant 0 : i32
          %dma_start3A_143 = tpu.memref_slice %arg4[%add3A_123, %dma_start3A_142] : memref<2500x128xi32, #tpu.memory_space<hbm>> -> memref<1x128xi32, #tpu.memory_space<hbm>>
          tpu.enqueue_dma source(%dma_start3A_143 : memref<1x128xi32, #tpu.memory_space<hbm>>) target(%arg11 : memref<1x128xi32, #tpu.memory_space<vmem>>) target_semaphore(%arg13 : memref<!tpu.dma_semaphore, #tpu.memory_space<semaphore_mem>>)
          %mul3A_144 = arith.constant 128 : i32
          %mul3A_145 = arith.muli %add3A_123, %mul3A_144 : i32
          %dma_start3A_146 = arith.constant 0 : i32
          %dma_start3A_147 = tpu.memref_slice %arg2[%mul3A_145, %dma_start3A_146] : memref<320000x128xf32, #tpu.memory_space<hbm>> -> memref<128x128xf32, #tpu.memory_space<hbm>>
          %dma_start3A_148 = arith.constant 0 : i32
          %dma_start3A_149 = tpu.memref_slice %arg2[%mul3A_145, %dma_start3A_148] : memref<320000x128xf32, #tpu.memory_space<hbm>> -> memref<128x128xf32, #tpu.memory_space<hbm>>
          tpu.enqueue_dma source(%dma_start3A_149 : memref<128x128xf32, #tpu.memory_space<hbm>>) target(%arg9 : memref<128x128xf32, #tpu.memory_space<vmem>>) target_semaphore(%arg13 : memref<!tpu.dma_semaphore, #tpu.memory_space<semaphore_mem>>)
        } else {
        }
        %lt3A_129 = arith.constant 2500 : i32
        %lt3A_130 = arith.cmpi slt, %add3A_106, %lt3A_129 : i32
        %convert_element_type3A_131 = arith.extui %lt3A_130 : i1 to i32
        %cond3A_132 = arith.constant 0 : i32
        %cond3A_133 = arith.cmpi ne, %convert_element_type3A_131, %cond3A_132 : i32
        scf.if %cond3A_133 {
          %dma_wait3A = arith.constant 0 : i32
          %dma_wait3A_141 = arith.constant 0 : i32
          %dma_wait3A_142 = tpu.memref_slice %arg12[%dma_wait3A, %dma_wait3A_141] : memref<1x128xi32, #tpu.memory_space<vmem>> -> memref<1x128xi32, #tpu.memory_space<vmem>>
          %dma_wait3A_143 = tpu.memref_squeeze %dma_wait3A_142 : memref<1x128xi32, #tpu.memory_space<vmem>> -> memref<128xi32, #tpu.memory_space<vmem>>
          %dma_wait3A_144 = arith.constant 0 : i32
          %dma_wait3A_145 = arith.constant 0 : i32
          %dma_wait3A_146 = tpu.memref_slice %arg8[%dma_wait3A_144, %dma_wait3A_145] : memref<10240x128xf32, #tpu.memory_space<vmem_shared>> -> memref<10240x128xf32, #tpu.memory_space<vmem_shared>>
          tpu.wait_indirect_dma semaphore(%arg16 : memref<!tpu.dma_semaphore, #tpu.memory_space<semaphore_mem>>) src(%arg10 : memref<128x128xf32, #tpu.memory_space<vmem>>) dst(%dma_wait3A_146 : memref<10240x128xf32, #tpu.memory_space<vmem_shared>>)
        } else {
        }
        %add3A_134 = arith.constant 32 : i32
        %add3A_135 = arith.addi %add3A_106, %add3A_134 : i32
        %lt3A_136 = arith.constant 2500 : i32
        %lt3A_137 = arith.cmpi slt, %add3A_135, %lt3A_136 : i32
        %convert_element_type3A_138 = arith.extui %lt3A_137 : i1 to i32
        %cond3A_139 = arith.constant 0 : i32
        %cond3A_140 = arith.cmpi ne, %convert_element_type3A_138, %cond3A_139 : i32
        scf.if %cond3A_140 {
          %dma_start3A = arith.constant 0 : i32
          %dma_start3A_141 = tpu.memref_slice %arg4[%add3A_135, %dma_start3A] : memref<2500x128xi32, #tpu.memory_space<hbm>> -> memref<1x128xi32, #tpu.memory_space<hbm>>
          %dma_start3A_142 = arith.constant 0 : i32
          %dma_start3A_143 = tpu.memref_slice %arg4[%add3A_135, %dma_start3A_142] : memref<2500x128xi32, #tpu.memory_space<hbm>> -> memref<1x128xi32, #tpu.memory_space<hbm>>
          tpu.enqueue_dma source(%dma_start3A_143 : memref<1x128xi32, #tpu.memory_space<hbm>>) target(%arg12 : memref<1x128xi32, #tpu.memory_space<vmem>>) target_semaphore(%arg14 : memref<!tpu.dma_semaphore, #tpu.memory_space<semaphore_mem>>)
          %mul3A_144 = arith.constant 128 : i32
          %mul3A_145 = arith.muli %add3A_135, %mul3A_144 : i32
          %dma_start3A_146 = arith.constant 0 : i32
          %dma_start3A_147 = tpu.memref_slice %arg2[%mul3A_145, %dma_start3A_146] : memref<320000x128xf32, #tpu.memory_space<hbm>> -> memref<128x128xf32, #tpu.memory_space<hbm>>
          %dma_start3A_148 = arith.constant 0 : i32
          %dma_start3A_149 = tpu.memref_slice %arg2[%mul3A_145, %dma_start3A_148] : memref<320000x128xf32, #tpu.memory_space<hbm>> -> memref<128x128xf32, #tpu.memory_space<hbm>>
          tpu.enqueue_dma source(%dma_start3A_149 : memref<128x128xf32, #tpu.memory_space<hbm>>) target(%arg10 : memref<128x128xf32, #tpu.memory_space<vmem>>) target_semaphore(%arg14 : memref<!tpu.dma_semaphore, #tpu.memory_space<semaphore_mem>>)
        } else {
        }
      }
      %scan3A_93 = arith.constant 79 : i32
    } else {
    }
    %eq3A_12 = arith.constant 1 : i32
    %eq3A_13 = arith.cmpi eq, %arg0, %eq3A_12 : i32
    %convert_element_type3A_14 = arith.extui %eq3A_13 : i1 to i32
    %cond3A_15 = arith.constant 0 : i32
    %cond3A_16 = arith.cmpi ne, %convert_element_type3A_14, %cond3A_15 : i32
    scf.if %cond3A_16 {
      %lt3A = arith.constant 2500 : i32
      %lt3A_78 = arith.cmpi slt, %arg1, %lt3A : i32
      %convert_element_type3A_79 = arith.extui %lt3A_78 : i1 to i32
      %cond3A_80 = arith.constant 0 : i32
      %cond3A_81 = arith.cmpi ne, %convert_element_type3A_79, %cond3A_80 : i32
      scf.if %cond3A_81 {
        %dma_start3A = arith.constant 0 : i32
        %dma_start3A_94 = tpu.memref_slice %arg4[%arg1, %dma_start3A] : memref<2500x128xi32, #tpu.memory_space<hbm>> -> memref<1x128xi32, #tpu.memory_space<hbm>>
        %dma_start3A_95 = arith.constant 0 : i32
        %dma_start3A_96 = tpu.memref_slice %arg4[%arg1, %dma_start3A_95] : memref<2500x128xi32, #tpu.memory_space<hbm>> -> memref<1x128xi32, #tpu.memory_space<hbm>>
        tpu.enqueue_dma source(%dma_start3A_96 : memref<1x128xi32, #tpu.memory_space<hbm>>) target(%arg11 : memref<1x128xi32, #tpu.memory_space<vmem>>) target_semaphore(%arg13 : memref<!tpu.dma_semaphore, #tpu.memory_space<semaphore_mem>>)
        %mul3A_97 = arith.constant 128 : i32
        %mul3A_98 = arith.muli %arg1, %mul3A_97 : i32
        %dma_start3A_99 = arith.constant 0 : i32
        %dma_start3A_100 = tpu.memref_slice %arg3[%mul3A_98, %dma_start3A_99] : memref<320000x128xf32, #tpu.memory_space<hbm>> -> memref<128x128xf32, #tpu.memory_space<hbm>>
        %dma_start3A_101 = arith.constant 0 : i32
        %dma_start3A_102 = tpu.memref_slice %arg3[%mul3A_98, %dma_start3A_101] : memref<320000x128xf32, #tpu.memory_space<hbm>> -> memref<128x128xf32, #tpu.memory_space<hbm>>
        tpu.enqueue_dma source(%dma_start3A_102 : memref<128x128xf32, #tpu.memory_space<hbm>>) target(%arg9 : memref<128x128xf32, #tpu.memory_space<vmem>>) target_semaphore(%arg13 : memref<!tpu.dma_semaphore, #tpu.memory_space<semaphore_mem>>)
      } else {
      }
      %add3A_82 = arith.constant 16 : i32
      %add3A_83 = arith.addi %add3A_82, %arg1 : i32
      %lt3A_84 = arith.constant 2500 : i32
      %lt3A_85 = arith.cmpi slt, %add3A_83, %lt3A_84 : i32
      %convert_element_type3A_86 = arith.extui %lt3A_85 : i1 to i32
      %cond3A_87 = arith.constant 0 : i32
      %cond3A_88 = arith.cmpi ne, %convert_element_type3A_86, %cond3A_87 : i32
      scf.if %cond3A_88 {
        %dma_start3A = arith.constant 0 : i32
        %dma_start3A_94 = tpu.memref_slice %arg4[%add3A_83, %dma_start3A] : memref<2500x128xi32, #tpu.memory_space<hbm>> -> memref<1x128xi32, #tpu.memory_space<hbm>>
        %dma_start3A_95 = arith.constant 0 : i32
        %dma_start3A_96 = tpu.memref_slice %arg4[%add3A_83, %dma_start3A_95] : memref<2500x128xi32, #tpu.memory_space<hbm>> -> memref<1x128xi32, #tpu.memory_space<hbm>>
        tpu.enqueue_dma source(%dma_start3A_96 : memref<1x128xi32, #tpu.memory_space<hbm>>) target(%arg12 : memref<1x128xi32, #tpu.memory_space<vmem>>) target_semaphore(%arg14 : memref<!tpu.dma_semaphore, #tpu.memory_space<semaphore_mem>>)
        %mul3A_97 = arith.constant 128 : i32
        %mul3A_98 = arith.muli %add3A_83, %mul3A_97 : i32
        %dma_start3A_99 = arith.constant 0 : i32
        %dma_start3A_100 = tpu.memref_slice %arg3[%mul3A_98, %dma_start3A_99] : memref<320000x128xf32, #tpu.memory_space<hbm>> -> memref<128x128xf32, #tpu.memory_space<hbm>>
        %dma_start3A_101 = arith.constant 0 : i32
        %dma_start3A_102 = tpu.memref_slice %arg3[%mul3A_98, %dma_start3A_101] : memref<320000x128xf32, #tpu.memory_space<hbm>> -> memref<128x128xf32, #tpu.memory_space<hbm>>
        tpu.enqueue_dma source(%dma_start3A_102 : memref<128x128xf32, #tpu.memory_space<hbm>>) target(%arg10 : memref<128x128xf32, #tpu.memory_space<vmem>>) target_semaphore(%arg14 : memref<!tpu.dma_semaphore, #tpu.memory_space<semaphore_mem>>)
      } else {
      }
      %scan3A = arith.constant 0 : i32
      %scan3A_89 = arith.constant 0 : i32
      %scan3A_90 = arith.constant 79 : i32
      %scan3A_91 = arith.addi %scan3A_89, %scan3A_90 : i32
      %scan3A_92 = arith.constant 1 : i32
      scf.for %scan3A_94 = %scan3A_89 to %scan3A_91 step %scan3A_92  : i32 {
        %mul3A_95 = arith.constant 2 : i32
        %mul3A_96 = arith.muli %mul3A_95, %scan3A_94 : i32
        %mul3A_97 = arith.constant 16 : i32
        %mul3A_98 = arith.muli %mul3A_96, %mul3A_97 : i32
        %add3A_99 = arith.addi %mul3A_98, %arg1 : i32
        %mul3A_100 = arith.constant 2 : i32
        %mul3A_101 = arith.muli %mul3A_100, %scan3A_94 : i32
        %add3A_102 = arith.constant 1 : i32
        %add3A_103 = arith.addi %mul3A_101, %add3A_102 : i32
        %mul3A_104 = arith.constant 16 : i32
        %mul3A_105 = arith.muli %add3A_103, %mul3A_104 : i32
        %add3A_106 = arith.addi %mul3A_105, %arg1 : i32
        %lt3A_107 = arith.constant 2500 : i32
        %lt3A_108 = arith.cmpi slt, %add3A_99, %lt3A_107 : i32
        %convert_element_type3A_109 = arith.extui %lt3A_108 : i1 to i32
        %cond3A_110 = arith.constant 0 : i32
        %cond3A_111 = arith.cmpi ne, %convert_element_type3A_109, %cond3A_110 : i32
        scf.if %cond3A_111 {
          %dma_wait3A = arith.constant 0 : i32
          %dma_wait3A_141 = arith.constant 0 : i32
          %dma_wait3A_142 = tpu.memref_slice %arg4[%dma_wait3A, %dma_wait3A_141] : memref<2500x128xi32, #tpu.memory_space<hbm>> -> memref<1x128xi32, #tpu.memory_space<hbm>>
          %dma_wait3A_143 = arith.constant 0 : i32
          %dma_wait3A_144 = arith.constant 0 : i32
          %dma_wait3A_145 = tpu.memref_slice %arg4[%dma_wait3A_143, %dma_wait3A_144] : memref<2500x128xi32, #tpu.memory_space<hbm>> -> memref<1x128xi32, #tpu.memory_space<hbm>>
          tpu.wait_dma2 semaphore(%arg13 : memref<!tpu.dma_semaphore, #tpu.memory_space<semaphore_mem>>) src(%dma_wait3A_145 : memref<1x128xi32, #tpu.memory_space<hbm>>) dst(%arg11 : memref<1x128xi32, #tpu.memory_space<vmem>>)
          %dma_wait3A_146 = arith.constant 0 : i32
          %dma_wait3A_147 = arith.constant 0 : i32
          %dma_wait3A_148 = tpu.memref_slice %arg2[%dma_wait3A_146, %dma_wait3A_147] : memref<320000x128xf32, #tpu.memory_space<hbm>> -> memref<128x128xf32, #tpu.memory_space<hbm>>
          %dma_wait3A_149 = arith.constant 0 : i32
          %dma_wait3A_150 = arith.constant 0 : i32
          %dma_wait3A_151 = tpu.memref_slice %arg2[%dma_wait3A_149, %dma_wait3A_150] : memref<320000x128xf32, #tpu.memory_space<hbm>> -> memref<128x128xf32, #tpu.memory_space<hbm>>
          tpu.wait_dma2 semaphore(%arg13 : memref<!tpu.dma_semaphore, #tpu.memory_space<semaphore_mem>>) src(%dma_wait3A_151 : memref<128x128xf32, #tpu.memory_space<hbm>>) dst(%arg9 : memref<128x128xf32, #tpu.memory_space<vmem>>)
          %dma_start3A = arith.constant 0 : i32
          %dma_start3A_152 = arith.constant 0 : i32
          %dma_start3A_153 = tpu.memref_slice %arg11[%dma_start3A, %dma_start3A_152] : memref<1x128xi32, #tpu.memory_space<vmem>> -> memref<1x128xi32, #tpu.memory_space<vmem>>
          %dma_start3A_154 = tpu.memref_squeeze %dma_start3A_153 : memref<1x128xi32, #tpu.memory_space<vmem>> -> memref<128xi32, #tpu.memory_space<vmem>>
          %dma_start3A_155 = arith.constant 0 : i32
          %dma_start3A_156 = arith.constant 0 : i32
          %dma_start3A_157 = tpu.memref_slice %arg8[%dma_start3A_155, %dma_start3A_156] : memref<10240x128xf32, #tpu.memory_space<vmem_shared>> -> memref<10240x128xf32, #tpu.memory_space<vmem_shared>>
          tpu.enqueue_indirect_dma source(%arg9 : memref<128x128xf32, #tpu.memory_space<vmem>>) target(%dma_start3A_157 : memref<10240x128xf32, #tpu.memory_space<vmem_shared>>) offsets(%dma_start3A_154 : memref<128xi32, #tpu.memory_space<vmem>>) semaphore(%arg15 : memref<!tpu.dma_semaphore, #tpu.memory_space<semaphore_mem>>) {add = true}
        } else {
        }
        %lt3A_112 = arith.constant 2500 : i32
        %lt3A_113 = arith.cmpi slt, %add3A_106, %lt3A_112 : i32
        %convert_element_type3A_114 = arith.extui %lt3A_113 : i1 to i32
        %cond3A_115 = arith.constant 0 : i32
        %cond3A_116 = arith.cmpi ne, %convert_element_type3A_114, %cond3A_115 : i32
        scf.if %cond3A_116 {
          %dma_wait3A = arith.constant 0 : i32
          %dma_wait3A_141 = arith.constant 0 : i32
          %dma_wait3A_142 = tpu.memref_slice %arg4[%dma_wait3A, %dma_wait3A_141] : memref<2500x128xi32, #tpu.memory_space<hbm>> -> memref<1x128xi32, #tpu.memory_space<hbm>>
          %dma_wait3A_143 = arith.constant 0 : i32
          %dma_wait3A_144 = arith.constant 0 : i32
          %dma_wait3A_145 = tpu.memref_slice %arg4[%dma_wait3A_143, %dma_wait3A_144] : memref<2500x128xi32, #tpu.memory_space<hbm>> -> memref<1x128xi32, #tpu.memory_space<hbm>>
          tpu.wait_dma2 semaphore(%arg14 : memref<!tpu.dma_semaphore, #tpu.memory_space<semaphore_mem>>) src(%dma_wait3A_145 : memref<1x128xi32, #tpu.memory_space<hbm>>) dst(%arg12 : memref<1x128xi32, #tpu.memory_space<vmem>>)
          %dma_wait3A_146 = arith.constant 0 : i32
          %dma_wait3A_147 = arith.constant 0 : i32
          %dma_wait3A_148 = tpu.memref_slice %arg2[%dma_wait3A_146, %dma_wait3A_147] : memref<320000x128xf32, #tpu.memory_space<hbm>> -> memref<128x128xf32, #tpu.memory_space<hbm>>
          %dma_wait3A_149 = arith.constant 0 : i32
          %dma_wait3A_150 = arith.constant 0 : i32
          %dma_wait3A_151 = tpu.memref_slice %arg2[%dma_wait3A_149, %dma_wait3A_150] : memref<320000x128xf32, #tpu.memory_space<hbm>> -> memref<128x128xf32, #tpu.memory_space<hbm>>
          tpu.wait_dma2 semaphore(%arg14 : memref<!tpu.dma_semaphore, #tpu.memory_space<semaphore_mem>>) src(%dma_wait3A_151 : memref<128x128xf32, #tpu.memory_space<hbm>>) dst(%arg10 : memref<128x128xf32, #tpu.memory_space<vmem>>)
          %dma_start3A = arith.constant 0 : i32
          %dma_start3A_152 = arith.constant 0 : i32
          %dma_start3A_153 = tpu.memref_slice %arg12[%dma_start3A, %dma_start3A_152] : memref<1x128xi32, #tpu.memory_space<vmem>> -> memref<1x128xi32, #tpu.memory_space<vmem>>
          %dma_start3A_154 = tpu.memref_squeeze %dma_start3A_153 : memref<1x128xi32, #tpu.memory_space<vmem>> -> memref<128xi32, #tpu.memory_space<vmem>>
          %dma_start3A_155 = arith.constant 0 : i32
          %dma_start3A_156 = arith.constant 0 : i32
          %dma_start3A_157 = tpu.memref_slice %arg8[%dma_start3A_155, %dma_start3A_156] : memref<10240x128xf32, #tpu.memory_space<vmem_shared>> -> memref<10240x128xf32, #tpu.memory_space<vmem_shared>>
          tpu.enqueue_indirect_dma source(%arg10 : memref<128x128xf32, #tpu.memory_space<vmem>>) target(%dma_start3A_157 : memref<10240x128xf32, #tpu.memory_space<vmem_shared>>) offsets(%dma_start3A_154 : memref<128xi32, #tpu.memory_space<vmem>>) semaphore(%arg16 : memref<!tpu.dma_semaphore, #tpu.memory_space<semaphore_mem>>) {add = true}
        } else {
        }
        %lt3A_117 = arith.constant 2500 : i32
        %lt3A_118 = arith.cmpi slt, %add3A_99, %lt3A_117 : i32
        %convert_element_type3A_119 = arith.extui %lt3A_118 : i1 to i32
        %cond3A_120 = arith.constant 0 : i32
        %cond3A_121 = arith.cmpi ne, %convert_element_type3A_119, %cond3A_120 : i32
        scf.if %cond3A_121 {
          %dma_wait3A = arith.constant 0 : i32
          %dma_wait3A_141 = arith.constant 0 : i32
          %dma_wait3A_142 = tpu.memref_slice %arg11[%dma_wait3A, %dma_wait3A_141] : memref<1x128xi32, #tpu.memory_space<vmem>> -> memref<1x128xi32, #tpu.memory_space<vmem>>
          %dma_wait3A_143 = tpu.memref_squeeze %dma_wait3A_142 : memref<1x128xi32, #tpu.memory_space<vmem>> -> memref<128xi32, #tpu.memory_space<vmem>>
          %dma_wait3A_144 = arith.constant 0 : i32
          %dma_wait3A_145 = arith.constant 0 : i32
          %dma_wait3A_146 = tpu.memref_slice %arg8[%dma_wait3A_144, %dma_wait3A_145] : memref<10240x128xf32, #tpu.memory_space<vmem_shared>> -> memref<10240x128xf32, #tpu.memory_space<vmem_shared>>
          tpu.wait_indirect_dma semaphore(%arg15 : memref<!tpu.dma_semaphore, #tpu.memory_space<semaphore_mem>>) src(%arg9 : memref<128x128xf32, #tpu.memory_space<vmem>>) dst(%dma_wait3A_146 : memref<10240x128xf32, #tpu.memory_space<vmem_shared>>)
        } else {
        }
        %add3A_122 = arith.constant 32 : i32
        %add3A_123 = arith.addi %add3A_99, %add3A_122 : i32
        %lt3A_124 = arith.constant 2500 : i32
        %lt3A_125 = arith.cmpi slt, %add3A_123, %lt3A_124 : i32
        %convert_element_type3A_126 = arith.extui %lt3A_125 : i1 to i32
        %cond3A_127 = arith.constant 0 : i32
        %cond3A_128 = arith.cmpi ne, %convert_element_type3A_126, %cond3A_127 : i32
        scf.if %cond3A_128 {
          %dma_start3A = arith.constant 0 : i32
          %dma_start3A_141 = tpu.memref_slice %arg4[%add3A_123, %dma_start3A] : memref<2500x128xi32, #tpu.memory_space<hbm>> -> memref<1x128xi32, #tpu.memory_space<hbm>>
          %dma_start3A_142 = arith.constant 0 : i32
          %dma_start3A_143 = tpu.memref_slice %arg4[%add3A_123, %dma_start3A_142] : memref<2500x128xi32, #tpu.memory_space<hbm>> -> memref<1x128xi32, #tpu.memory_space<hbm>>
          tpu.enqueue_dma source(%dma_start3A_143 : memref<1x128xi32, #tpu.memory_space<hbm>>) target(%arg11 : memref<1x128xi32, #tpu.memory_space<vmem>>) target_semaphore(%arg13 : memref<!tpu.dma_semaphore, #tpu.memory_space<semaphore_mem>>)
          %mul3A_144 = arith.constant 128 : i32
          %mul3A_145 = arith.muli %add3A_123, %mul3A_144 : i32
          %dma_start3A_146 = arith.constant 0 : i32
          %dma_start3A_147 = tpu.memref_slice %arg3[%mul3A_145, %dma_start3A_146] : memref<320000x128xf32, #tpu.memory_space<hbm>> -> memref<128x128xf32, #tpu.memory_space<hbm>>
          %dma_start3A_148 = arith.constant 0 : i32
          %dma_start3A_149 = tpu.memref_slice %arg3[%mul3A_145, %dma_start3A_148] : memref<320000x128xf32, #tpu.memory_space<hbm>> -> memref<128x128xf32, #tpu.memory_space<hbm>>
          tpu.enqueue_dma source(%dma_start3A_149 : memref<128x128xf32, #tpu.memory_space<hbm>>) target(%arg9 : memref<128x128xf32, #tpu.memory_space<vmem>>) target_semaphore(%arg13 : memref<!tpu.dma_semaphore, #tpu.memory_space<semaphore_mem>>)
        } else {
        }
        %lt3A_129 = arith.constant 2500 : i32
        %lt3A_130 = arith.cmpi slt, %add3A_106, %lt3A_129 : i32
        %convert_element_type3A_131 = arith.extui %lt3A_130 : i1 to i32
        %cond3A_132 = arith.constant 0 : i32
        %cond3A_133 = arith.cmpi ne, %convert_element_type3A_131, %cond3A_132 : i32
        scf.if %cond3A_133 {
          %dma_wait3A = arith.constant 0 : i32
          %dma_wait3A_141 = arith.constant 0 : i32
          %dma_wait3A_142 = tpu.memref_slice %arg12[%dma_wait3A, %dma_wait3A_141] : memref<1x128xi32, #tpu.memory_space<vmem>> -> memref<1x128xi32, #tpu.memory_space<vmem>>
          %dma_wait3A_143 = tpu.memref_squeeze %dma_wait3A_142 : memref<1x128xi32, #tpu.memory_space<vmem>> -> memref<128xi32, #tpu.memory_space<vmem>>
          %dma_wait3A_144 = arith.constant 0 : i32
          %dma_wait3A_145 = arith.constant 0 : i32
          %dma_wait3A_146 = tpu.memref_slice %arg8[%dma_wait3A_144, %dma_wait3A_145] : memref<10240x128xf32, #tpu.memory_space<vmem_shared>> -> memref<10240x128xf32, #tpu.memory_space<vmem_shared>>
          tpu.wait_indirect_dma semaphore(%arg16 : memref<!tpu.dma_semaphore, #tpu.memory_space<semaphore_mem>>) src(%arg10 : memref<128x128xf32, #tpu.memory_space<vmem>>) dst(%dma_wait3A_146 : memref<10240x128xf32, #tpu.memory_space<vmem_shared>>)
        } else {
        }
        %add3A_134 = arith.constant 32 : i32
        %add3A_135 = arith.addi %add3A_106, %add3A_134 : i32
        %lt3A_136 = arith.constant 2500 : i32
        %lt3A_137 = arith.cmpi slt, %add3A_135, %lt3A_136 : i32
        %convert_element_type3A_138 = arith.extui %lt3A_137 : i1 to i32
        %cond3A_139 = arith.constant 0 : i32
        %cond3A_140 = arith.cmpi ne, %convert_element_type3A_138, %cond3A_139 : i32
        scf.if %cond3A_140 {
          %dma_start3A = arith.constant 0 : i32
          %dma_start3A_141 = tpu.memref_slice %arg4[%add3A_135, %dma_start3A] : memref<2500x128xi32, #tpu.memory_space<hbm>> -> memref<1x128xi32, #tpu.memory_space<hbm>>
          %dma_start3A_142 = arith.constant 0 : i32
          %dma_start3A_143 = tpu.memref_slice %arg4[%add3A_135, %dma_start3A_142] : memref<2500x128xi32, #tpu.memory_space<hbm>> -> memref<1x128xi32, #tpu.memory_space<hbm>>
          tpu.enqueue_dma source(%dma_start3A_143 : memref<1x128xi32, #tpu.memory_space<hbm>>) target(%arg12 : memref<1x128xi32, #tpu.memory_space<vmem>>) target_semaphore(%arg14 : memref<!tpu.dma_semaphore, #tpu.memory_space<semaphore_mem>>)
          %mul3A_144 = arith.constant 128 : i32
          %mul3A_145 = arith.muli %add3A_135, %mul3A_144 : i32
          %dma_start3A_146 = arith.constant 0 : i32
          %dma_start3A_147 = tpu.memref_slice %arg3[%mul3A_145, %dma_start3A_146] : memref<320000x128xf32, #tpu.memory_space<hbm>> -> memref<128x128xf32, #tpu.memory_space<hbm>>
          %dma_start3A_148 = arith.constant 0 : i32
          %dma_start3A_149 = tpu.memref_slice %arg3[%mul3A_145, %dma_start3A_148] : memref<320000x128xf32, #tpu.memory_space<hbm>> -> memref<128x128xf32, #tpu.memory_space<hbm>>
          tpu.enqueue_dma source(%dma_start3A_149 : memref<128x128xf32, #tpu.memory_space<hbm>>) target(%arg10 : memref<128x128xf32, #tpu.memory_space<vmem>>) target_semaphore(%arg14 : memref<!tpu.dma_semaphore, #tpu.memory_space<semaphore_mem>>)
        } else {
        }
      }
      %scan3A_93 = arith.constant 79 : i32
    } else {
    }
    %barrier3A_17 = arith.constant 0 : index
    tpu.barrier barrier_id(%barrier3A_17)
    %add3A_18 = arith.constant 0 : i32
    %add3A_19 = arith.addi %mul3A_0, %add3A_18 : i32
    "tpu.region"() ({
      %run_scoped3A = tpu.sem_alloc : memref<!tpu.dma_semaphore, #tpu.memory_space<semaphore_mem>>
      %dma_start3A = arith.constant 0 : i32
      %dma_start3A_78 = tpu.memref_slice %arg8[%add3A_19, %dma_start3A] : memref<10240x128xf32, #tpu.memory_space<vmem_shared>> -> memref<128x128xf32, #tpu.memory_space<vmem_shared>>
      %dma_start3A_79 = arith.constant 0 : i32
      %dma_start3A_80 = tpu.memref_slice %arg8[%add3A_19, %dma_start3A_79] : memref<10240x128xf32, #tpu.memory_space<vmem_shared>> -> memref<128x128xf32, #tpu.memory_space<vmem_shared>>
      tpu.enqueue_dma source(%dma_start3A_80 : memref<128x128xf32, #tpu.memory_space<vmem_shared>>) target(%arg9 : memref<128x128xf32, #tpu.memory_space<vmem>>) target_semaphore(%run_scoped3A : memref<!tpu.dma_semaphore, #tpu.memory_space<semaphore_mem>>)
      %dma_wait3A = arith.constant 0 : i32
      %dma_wait3A_81 = tpu.memref_slice %arg8[%add3A_19, %dma_wait3A] : memref<10240x128xf32, #tpu.memory_space<vmem_shared>> -> memref<128x128xf32, #tpu.memory_space<vmem_shared>>
      %dma_wait3A_82 = arith.constant 0 : i32
      %dma_wait3A_83 = tpu.memref_slice %arg8[%add3A_19, %dma_wait3A_82] : memref<10240x128xf32, #tpu.memory_space<vmem_shared>> -> memref<128x128xf32, #tpu.memory_space<vmem_shared>>
      tpu.wait_dma2 semaphore(%run_scoped3A : memref<!tpu.dma_semaphore, #tpu.memory_space<semaphore_mem>>) src(%dma_wait3A_83 : memref<128x128xf32, #tpu.memory_space<vmem_shared>>) dst(%arg9 : memref<128x128xf32, #tpu.memory_space<vmem>>)
      tpu.yield
    }) : () -> ()
    %eq3A_20 = arith.constant 0 : i32
    %eq3A_21 = arith.cmpi eq, %arg0, %eq3A_20 : i32
    %convert_element_type3A_22 = arith.extui %eq3A_21 : i1 to i32
    %cond3A_23 = arith.constant 0 : i32
    %cond3A_24 = arith.cmpi ne, %convert_element_type3A_22, %cond3A_23 : i32
    scf.if %cond3A_24 {
      "tpu.region"() ({
        %run_scoped3A = tpu.sem_alloc : memref<!tpu.dma_semaphore, #tpu.memory_space<semaphore_mem>>
        %dma_start3A = arith.constant 0 : i32
        %dma_start3A_78 = tpu.memref_slice %arg6[%add3A_19, %dma_start3A] : memref<10240x128xf32, #tpu.memory_space<hbm>> -> memref<128x128xf32, #tpu.memory_space<hbm>>
        %dma_start3A_79 = arith.constant 0 : i32
        %dma_start3A_80 = tpu.memref_slice %arg6[%add3A_19, %dma_start3A_79] : memref<10240x128xf32, #tpu.memory_space<hbm>> -> memref<128x128xf32, #tpu.memory_space<hbm>>
        tpu.enqueue_dma source(%arg9 : memref<128x128xf32, #tpu.memory_space<vmem>>) target(%dma_start3A_80 : memref<128x128xf32, #tpu.memory_space<hbm>>) target_semaphore(%run_scoped3A : memref<!tpu.dma_semaphore, #tpu.memory_space<semaphore_mem>>)
        %dma_wait3A = arith.constant 0 : i32
        %dma_wait3A_81 = tpu.memref_slice %arg6[%add3A_19, %dma_wait3A] : memref<10240x128xf32, #tpu.memory_space<hbm>> -> memref<128x128xf32, #tpu.memory_space<hbm>>
        %dma_wait3A_82 = arith.constant 0 : i32
        %dma_wait3A_83 = tpu.memref_slice %arg6[%add3A_19, %dma_wait3A_82] : memref<10240x128xf32, #tpu.memory_space<hbm>> -> memref<128x128xf32, #tpu.memory_space<hbm>>
        tpu.wait_dma2 semaphore(%run_scoped3A : memref<!tpu.dma_semaphore, #tpu.memory_space<semaphore_mem>>) src(%arg9 : memref<128x128xf32, #tpu.memory_space<vmem>>) dst(%dma_wait3A_83 : memref<128x128xf32, #tpu.memory_space<hbm>>)
        tpu.yield
      }) : () -> ()
    } else {
    }
    %eq3A_25 = arith.constant 1 : i32
    %eq3A_26 = arith.cmpi eq, %arg0, %eq3A_25 : i32
    %convert_element_type3A_27 = arith.extui %eq3A_26 : i1 to i32
    %cond3A_28 = arith.constant 0 : i32
    %cond3A_29 = arith.cmpi ne, %convert_element_type3A_27, %cond3A_28 : i32
    scf.if %cond3A_29 {
      "tpu.region"() ({
        %run_scoped3A = tpu.sem_alloc : memref<!tpu.dma_semaphore, #tpu.memory_space<semaphore_mem>>
        %dma_start3A = arith.constant 0 : i32
        %dma_start3A_78 = tpu.memref_slice %arg7[%add3A_19, %dma_start3A] : memref<10240x128xf32, #tpu.memory_space<hbm>> -> memref<128x128xf32, #tpu.memory_space<hbm>>
        %dma_start3A_79 = arith.constant 0 : i32
        %dma_start3A_80 = tpu.memref_slice %arg7[%add3A_19, %dma_start3A_79] : memref<10240x128xf32, #tpu.memory_space<hbm>> -> memref<128x128xf32, #tpu.memory_space<hbm>>
        tpu.enqueue_dma source(%arg9 : memref<128x128xf32, #tpu.memory_space<vmem>>) target(%dma_start3A_80 : memref<128x128xf32, #tpu.memory_space<hbm>>) target_semaphore(%run_scoped3A : memref<!tpu.dma_semaphore, #tpu.memory_space<semaphore_mem>>)
        %dma_wait3A = arith.constant 0 : i32
        %dma_wait3A_81 = tpu.memref_slice %arg7[%add3A_19, %dma_wait3A] : memref<10240x128xf32, #tpu.memory_space<hbm>> -> memref<128x128xf32, #tpu.memory_space<hbm>>
        %dma_wait3A_82 = arith.constant 0 : i32
        %dma_wait3A_83 = tpu.memref_slice %arg7[%add3A_19, %dma_wait3A_82] : memref<10240x128xf32, #tpu.memory_space<hbm>> -> memref<128x128xf32, #tpu.memory_space<hbm>>
        tpu.wait_dma2 semaphore(%run_scoped3A : memref<!tpu.dma_semaphore, #tpu.memory_space<semaphore_mem>>) src(%arg9 : memref<128x128xf32, #tpu.memory_space<vmem>>) dst(%dma_wait3A_83 : memref<128x128xf32, #tpu.memory_space<hbm>>)
        tpu.yield
      }) : () -> ()
    } else {
    }
    %add3A_30 = arith.constant 128 : i32
    %add3A_31 = arith.addi %mul3A_0, %add3A_30 : i32
    "tpu.region"() ({
      %run_scoped3A = tpu.sem_alloc : memref<!tpu.dma_semaphore, #tpu.memory_space<semaphore_mem>>
      %dma_start3A = arith.constant 0 : i32
      %dma_start3A_78 = tpu.memref_slice %arg8[%add3A_31, %dma_start3A] : memref<10240x128xf32, #tpu.memory_space<vmem_shared>> -> memref<128x128xf32, #tpu.memory_space<vmem_shared>>
      %dma_start3A_79 = arith.constant 0 : i32
      %dma_start3A_80 = tpu.memref_slice %arg8[%add3A_31, %dma_start3A_79] : memref<10240x128xf32, #tpu.memory_space<vmem_shared>> -> memref<128x128xf32, #tpu.memory_space<vmem_shared>>
      tpu.enqueue_dma source(%dma_start3A_80 : memref<128x128xf32, #tpu.memory_space<vmem_shared>>) target(%arg9 : memref<128x128xf32, #tpu.memory_space<vmem>>) target_semaphore(%run_scoped3A : memref<!tpu.dma_semaphore, #tpu.memory_space<semaphore_mem>>)
      %dma_wait3A = arith.constant 0 : i32
      %dma_wait3A_81 = tpu.memref_slice %arg8[%add3A_31, %dma_wait3A] : memref<10240x128xf32, #tpu.memory_space<vmem_shared>> -> memref<128x128xf32, #tpu.memory_space<vmem_shared>>
      %dma_wait3A_82 = arith.constant 0 : i32
      %dma_wait3A_83 = tpu.memref_slice %arg8[%add3A_31, %dma_wait3A_82] : memref<10240x128xf32, #tpu.memory_space<vmem_shared>> -> memref<128x128xf32, #tpu.memory_space<vmem_shared>>
      tpu.wait_dma2 semaphore(%run_scoped3A : memref<!tpu.dma_semaphore, #tpu.memory_space<semaphore_mem>>) src(%dma_wait3A_83 : memref<128x128xf32, #tpu.memory_space<vmem_shared>>) dst(%arg9 : memref<128x128xf32, #tpu.memory_space<vmem>>)
      tpu.yield
    }) : () -> ()
    %eq3A_32 = arith.constant 0 : i32
    %eq3A_33 = arith.cmpi eq, %arg0, %eq3A_32 : i32
    %convert_element_type3A_34 = arith.extui %eq3A_33 : i1 to i32
    %cond3A_35 = arith.constant 0 : i32
    %cond3A_36 = arith.cmpi ne, %convert_element_type3A_34, %cond3A_35 : i32
    scf.if %cond3A_36 {
      "tpu.region"() ({
        %run_scoped3A = tpu.sem_alloc : memref<!tpu.dma_semaphore, #tpu.memory_space<semaphore_mem>>
        %dma_start3A = arith.constant 0 : i32
        %dma_start3A_78 = tpu.memref_slice %arg6[%add3A_31, %dma_start3A] : memref<10240x128xf32, #tpu.memory_space<hbm>> -> memref<128x128xf32, #tpu.memory_space<hbm>>
        %dma_start3A_79 = arith.constant 0 : i32
        %dma_start3A_80 = tpu.memref_slice %arg6[%add3A_31, %dma_start3A_79] : memref<10240x128xf32, #tpu.memory_space<hbm>> -> memref<128x128xf32, #tpu.memory_space<hbm>>
        tpu.enqueue_dma source(%arg9 : memref<128x128xf32, #tpu.memory_space<vmem>>) target(%dma_start3A_80 : memref<128x128xf32, #tpu.memory_space<hbm>>) target_semaphore(%run_scoped3A : memref<!tpu.dma_semaphore, #tpu.memory_space<semaphore_mem>>)
        %dma_wait3A = arith.constant 0 : i32
        %dma_wait3A_81 = tpu.memref_slice %arg6[%add3A_31, %dma_wait3A] : memref<10240x128xf32, #tpu.memory_space<hbm>> -> memref<128x128xf32, #tpu.memory_space<hbm>>
        %dma_wait3A_82 = arith.constant 0 : i32
        %dma_wait3A_83 = tpu.memref_slice %arg6[%add3A_31, %dma_wait3A_82] : memref<10240x128xf32, #tpu.memory_space<hbm>> -> memref<128x128xf32, #tpu.memory_space<hbm>>
        tpu.wait_dma2 semaphore(%run_scoped3A : memref<!tpu.dma_semaphore, #tpu.memory_space<semaphore_mem>>) src(%arg9 : memref<128x128xf32, #tpu.memory_space<vmem>>) dst(%dma_wait3A_83 : memref<128x128xf32, #tpu.memory_space<hbm>>)
        tpu.yield
      }) : () -> ()
    } else {
    }
    %eq3A_37 = arith.constant 1 : i32
    %eq3A_38 = arith.cmpi eq, %arg0, %eq3A_37 : i32
    %convert_element_type3A_39 = arith.extui %eq3A_38 : i1 to i32
    %cond3A_40 = arith.constant 0 : i32
    %cond3A_41 = arith.cmpi ne, %convert_element_type3A_39, %cond3A_40 : i32
    scf.if %cond3A_41 {
      "tpu.region"() ({
        %run_scoped3A = tpu.sem_alloc : memref<!tpu.dma_semaphore, #tpu.memory_space<semaphore_mem>>
        %dma_start3A = arith.constant 0 : i32
        %dma_start3A_78 = tpu.memref_slice %arg7[%add3A_31, %dma_start3A] : memref<10240x128xf32, #tpu.memory_space<hbm>> -> memref<128x128xf32, #tpu.memory_space<hbm>>
        %dma_start3A_79 = arith.constant 0 : i32
        %dma_start3A_80 = tpu.memref_slice %arg7[%add3A_31, %dma_start3A_79] : memref<10240x128xf32, #tpu.memory_space<hbm>> -> memref<128x128xf32, #tpu.memory_space<hbm>>
        tpu.enqueue_dma source(%arg9 : memref<128x128xf32, #tpu.memory_space<vmem>>) target(%dma_start3A_80 : memref<128x128xf32, #tpu.memory_space<hbm>>) target_semaphore(%run_scoped3A : memref<!tpu.dma_semaphore, #tpu.memory_space<semaphore_mem>>)
        %dma_wait3A = arith.constant 0 : i32
        %dma_wait3A_81 = tpu.memref_slice %arg7[%add3A_31, %dma_wait3A] : memref<10240x128xf32, #tpu.memory_space<hbm>> -> memref<128x128xf32, #tpu.memory_space<hbm>>
        %dma_wait3A_82 = arith.constant 0 : i32
        %dma_wait3A_83 = tpu.memref_slice %arg7[%add3A_31, %dma_wait3A_82] : memref<10240x128xf32, #tpu.memory_space<hbm>> -> memref<128x128xf32, #tpu.memory_space<hbm>>
        tpu.wait_dma2 semaphore(%run_scoped3A : memref<!tpu.dma_semaphore, #tpu.memory_space<semaphore_mem>>) src(%arg9 : memref<128x128xf32, #tpu.memory_space<vmem>>) dst(%dma_wait3A_83 : memref<128x128xf32, #tpu.memory_space<hbm>>)
        tpu.yield
      }) : () -> ()
    } else {
    }
    %add3A_42 = arith.constant 256 : i32
    %add3A_43 = arith.addi %mul3A_0, %add3A_42 : i32
    "tpu.region"() ({
      %run_scoped3A = tpu.sem_alloc : memref<!tpu.dma_semaphore, #tpu.memory_space<semaphore_mem>>
      %dma_start3A = arith.constant 0 : i32
      %dma_start3A_78 = tpu.memref_slice %arg8[%add3A_43, %dma_start3A] : memref<10240x128xf32, #tpu.memory_space<vmem_shared>> -> memref<128x128xf32, #tpu.memory_space<vmem_shared>>
      %dma_start3A_79 = arith.constant 0 : i32
      %dma_start3A_80 = tpu.memref_slice %arg8[%add3A_43, %dma_start3A_79] : memref<10240x128xf32, #tpu.memory_space<vmem_shared>> -> memref<128x128xf32, #tpu.memory_space<vmem_shared>>
      tpu.enqueue_dma source(%dma_start3A_80 : memref<128x128xf32, #tpu.memory_space<vmem_shared>>) target(%arg9 : memref<128x128xf32, #tpu.memory_space<vmem>>) target_semaphore(%run_scoped3A : memref<!tpu.dma_semaphore, #tpu.memory_space<semaphore_mem>>)
      %dma_wait3A = arith.constant 0 : i32
      %dma_wait3A_81 = tpu.memref_slice %arg8[%add3A_43, %dma_wait3A] : memref<10240x128xf32, #tpu.memory_space<vmem_shared>> -> memref<128x128xf32, #tpu.memory_space<vmem_shared>>
      %dma_wait3A_82 = arith.constant 0 : i32
      %dma_wait3A_83 = tpu.memref_slice %arg8[%add3A_43, %dma_wait3A_82] : memref<10240x128xf32, #tpu.memory_space<vmem_shared>> -> memref<128x128xf32, #tpu.memory_space<vmem_shared>>
      tpu.wait_dma2 semaphore(%run_scoped3A : memref<!tpu.dma_semaphore, #tpu.memory_space<semaphore_mem>>) src(%dma_wait3A_83 : memref<128x128xf32, #tpu.memory_space<vmem_shared>>) dst(%arg9 : memref<128x128xf32, #tpu.memory_space<vmem>>)
      tpu.yield
    }) : () -> ()
    %eq3A_44 = arith.constant 0 : i32
    %eq3A_45 = arith.cmpi eq, %arg0, %eq3A_44 : i32
    %convert_element_type3A_46 = arith.extui %eq3A_45 : i1 to i32
    %cond3A_47 = arith.constant 0 : i32
    %cond3A_48 = arith.cmpi ne, %convert_element_type3A_46, %cond3A_47 : i32
    scf.if %cond3A_48 {
      "tpu.region"() ({
        %run_scoped3A = tpu.sem_alloc : memref<!tpu.dma_semaphore, #tpu.memory_space<semaphore_mem>>
        %dma_start3A = arith.constant 0 : i32
        %dma_start3A_78 = tpu.memref_slice %arg6[%add3A_43, %dma_start3A] : memref<10240x128xf32, #tpu.memory_space<hbm>> -> memref<128x128xf32, #tpu.memory_space<hbm>>
        %dma_start3A_79 = arith.constant 0 : i32
        %dma_start3A_80 = tpu.memref_slice %arg6[%add3A_43, %dma_start3A_79] : memref<10240x128xf32, #tpu.memory_space<hbm>> -> memref<128x128xf32, #tpu.memory_space<hbm>>
        tpu.enqueue_dma source(%arg9 : memref<128x128xf32, #tpu.memory_space<vmem>>) target(%dma_start3A_80 : memref<128x128xf32, #tpu.memory_space<hbm>>) target_semaphore(%run_scoped3A : memref<!tpu.dma_semaphore, #tpu.memory_space<semaphore_mem>>)
        %dma_wait3A = arith.constant 0 : i32
        %dma_wait3A_81 = tpu.memref_slice %arg6[%add3A_43, %dma_wait3A] : memref<10240x128xf32, #tpu.memory_space<hbm>> -> memref<128x128xf32, #tpu.memory_space<hbm>>
        %dma_wait3A_82 = arith.constant 0 : i32
        %dma_wait3A_83 = tpu.memref_slice %arg6[%add3A_43, %dma_wait3A_82] : memref<10240x128xf32, #tpu.memory_space<hbm>> -> memref<128x128xf32, #tpu.memory_space<hbm>>
        tpu.wait_dma2 semaphore(%run_scoped3A : memref<!tpu.dma_semaphore, #tpu.memory_space<semaphore_mem>>) src(%arg9 : memref<128x128xf32, #tpu.memory_space<vmem>>) dst(%dma_wait3A_83 : memref<128x128xf32, #tpu.memory_space<hbm>>)
        tpu.yield
      }) : () -> ()
    } else {
    }
    %eq3A_49 = arith.constant 1 : i32
    %eq3A_50 = arith.cmpi eq, %arg0, %eq3A_49 : i32
    %convert_element_type3A_51 = arith.extui %eq3A_50 : i1 to i32
    %cond3A_52 = arith.constant 0 : i32
    %cond3A_53 = arith.cmpi ne, %convert_element_type3A_51, %cond3A_52 : i32
    scf.if %cond3A_53 {
      "tpu.region"() ({
        %run_scoped3A = tpu.sem_alloc : memref<!tpu.dma_semaphore, #tpu.memory_space<semaphore_mem>>
        %dma_start3A = arith.constant 0 : i32
        %dma_start3A_78 = tpu.memref_slice %arg7[%add3A_43, %dma_start3A] : memref<10240x128xf32, #tpu.memory_space<hbm>> -> memref<128x128xf32, #tpu.memory_space<hbm>>
        %dma_start3A_79 = arith.constant 0 : i32
        %dma_start3A_80 = tpu.memref_slice %arg7[%add3A_43, %dma_start3A_79] : memref<10240x128xf32, #tpu.memory_space<hbm>> -> memref<128x128xf32, #tpu.memory_space<hbm>>
        tpu.enqueue_dma source(%arg9 : memref<128x128xf32, #tpu.memory_space<vmem>>) target(%dma_start3A_80 : memref<128x128xf32, #tpu.memory_space<hbm>>) target_semaphore(%run_scoped3A : memref<!tpu.dma_semaphore, #tpu.memory_space<semaphore_mem>>)
        %dma_wait3A = arith.constant 0 : i32
        %dma_wait3A_81 = tpu.memref_slice %arg7[%add3A_43, %dma_wait3A] : memref<10240x128xf32, #tpu.memory_space<hbm>> -> memref<128x128xf32, #tpu.memory_space<hbm>>
        %dma_wait3A_82 = arith.constant 0 : i32
        %dma_wait3A_83 = tpu.memref_slice %arg7[%add3A_43, %dma_wait3A_82] : memref<10240x128xf32, #tpu.memory_space<hbm>> -> memref<128x128xf32, #tpu.memory_space<hbm>>
        tpu.wait_dma2 semaphore(%run_scoped3A : memref<!tpu.dma_semaphore, #tpu.memory_space<semaphore_mem>>) src(%arg9 : memref<128x128xf32, #tpu.memory_space<vmem>>) dst(%dma_wait3A_83 : memref<128x128xf32, #tpu.memory_space<hbm>>)
        tpu.yield
      }) : () -> ()
    } else {
    }
    %add3A_54 = arith.constant 384 : i32
    %add3A_55 = arith.addi %mul3A_0, %add3A_54 : i32
    "tpu.region"() ({
      %run_scoped3A = tpu.sem_alloc : memref<!tpu.dma_semaphore, #tpu.memory_space<semaphore_mem>>
      %dma_start3A = arith.constant 0 : i32
      %dma_start3A_78 = tpu.memref_slice %arg8[%add3A_55, %dma_start3A] : memref<10240x128xf32, #tpu.memory_space<vmem_shared>> -> memref<128x128xf32, #tpu.memory_space<vmem_shared>>
      %dma_start3A_79 = arith.constant 0 : i32
      %dma_start3A_80 = tpu.memref_slice %arg8[%add3A_55, %dma_start3A_79] : memref<10240x128xf32, #tpu.memory_space<vmem_shared>> -> memref<128x128xf32, #tpu.memory_space<vmem_shared>>
      tpu.enqueue_dma source(%dma_start3A_80 : memref<128x128xf32, #tpu.memory_space<vmem_shared>>) target(%arg9 : memref<128x128xf32, #tpu.memory_space<vmem>>) target_semaphore(%run_scoped3A : memref<!tpu.dma_semaphore, #tpu.memory_space<semaphore_mem>>)
      %dma_wait3A = arith.constant 0 : i32
      %dma_wait3A_81 = tpu.memref_slice %arg8[%add3A_55, %dma_wait3A] : memref<10240x128xf32, #tpu.memory_space<vmem_shared>> -> memref<128x128xf32, #tpu.memory_space<vmem_shared>>
      %dma_wait3A_82 = arith.constant 0 : i32
      %dma_wait3A_83 = tpu.memref_slice %arg8[%add3A_55, %dma_wait3A_82] : memref<10240x128xf32, #tpu.memory_space<vmem_shared>> -> memref<128x128xf32, #tpu.memory_space<vmem_shared>>
      tpu.wait_dma2 semaphore(%run_scoped3A : memref<!tpu.dma_semaphore, #tpu.memory_space<semaphore_mem>>) src(%dma_wait3A_83 : memref<128x128xf32, #tpu.memory_space<vmem_shared>>) dst(%arg9 : memref<128x128xf32, #tpu.memory_space<vmem>>)
      tpu.yield
    }) : () -> ()
    %eq3A_56 = arith.constant 0 : i32
    %eq3A_57 = arith.cmpi eq, %arg0, %eq3A_56 : i32
    %convert_element_type3A_58 = arith.extui %eq3A_57 : i1 to i32
    %cond3A_59 = arith.constant 0 : i32
    %cond3A_60 = arith.cmpi ne, %convert_element_type3A_58, %cond3A_59 : i32
    scf.if %cond3A_60 {
      "tpu.region"() ({
        %run_scoped3A = tpu.sem_alloc : memref<!tpu.dma_semaphore, #tpu.memory_space<semaphore_mem>>
        %dma_start3A = arith.constant 0 : i32
        %dma_start3A_78 = tpu.memref_slice %arg6[%add3A_55, %dma_start3A] : memref<10240x128xf32, #tpu.memory_space<hbm>> -> memref<128x128xf32, #tpu.memory_space<hbm>>
        %dma_start3A_79 = arith.constant 0 : i32
        %dma_start3A_80 = tpu.memref_slice %arg6[%add3A_55, %dma_start3A_79] : memref<10240x128xf32, #tpu.memory_space<hbm>> -> memref<128x128xf32, #tpu.memory_space<hbm>>
        tpu.enqueue_dma source(%arg9 : memref<128x128xf32, #tpu.memory_space<vmem>>) target(%dma_start3A_80 : memref<128x128xf32, #tpu.memory_space<hbm>>) target_semaphore(%run_scoped3A : memref<!tpu.dma_semaphore, #tpu.memory_space<semaphore_mem>>)
        %dma_wait3A = arith.constant 0 : i32
        %dma_wait3A_81 = tpu.memref_slice %arg6[%add3A_55, %dma_wait3A] : memref<10240x128xf32, #tpu.memory_space<hbm>> -> memref<128x128xf32, #tpu.memory_space<hbm>>
        %dma_wait3A_82 = arith.constant 0 : i32
        %dma_wait3A_83 = tpu.memref_slice %arg6[%add3A_55, %dma_wait3A_82] : memref<10240x128xf32, #tpu.memory_space<hbm>> -> memref<128x128xf32, #tpu.memory_space<hbm>>
        tpu.wait_dma2 semaphore(%run_scoped3A : memref<!tpu.dma_semaphore, #tpu.memory_space<semaphore_mem>>) src(%arg9 : memref<128x128xf32, #tpu.memory_space<vmem>>) dst(%dma_wait3A_83 : memref<128x128xf32, #tpu.memory_space<hbm>>)
        tpu.yield
      }) : () -> ()
    } else {
    }
    %eq3A_61 = arith.constant 1 : i32
    %eq3A_62 = arith.cmpi eq, %arg0, %eq3A_61 : i32
    %convert_element_type3A_63 = arith.extui %eq3A_62 : i1 to i32
    %cond3A_64 = arith.constant 0 : i32
    %cond3A_65 = arith.cmpi ne, %convert_element_type3A_63, %cond3A_64 : i32
    scf.if %cond3A_65 {
      "tpu.region"() ({
        %run_scoped3A = tpu.sem_alloc : memref<!tpu.dma_semaphore, #tpu.memory_space<semaphore_mem>>
        %dma_start3A = arith.constant 0 : i32
        %dma_start3A_78 = tpu.memref_slice %arg7[%add3A_55, %dma_start3A] : memref<10240x128xf32, #tpu.memory_space<hbm>> -> memref<128x128xf32, #tpu.memory_space<hbm>>
        %dma_start3A_79 = arith.constant 0 : i32
        %dma_start3A_80 = tpu.memref_slice %arg7[%add3A_55, %dma_start3A_79] : memref<10240x128xf32, #tpu.memory_space<hbm>> -> memref<128x128xf32, #tpu.memory_space<hbm>>
        tpu.enqueue_dma source(%arg9 : memref<128x128xf32, #tpu.memory_space<vmem>>) target(%dma_start3A_80 : memref<128x128xf32, #tpu.memory_space<hbm>>) target_semaphore(%run_scoped3A : memref<!tpu.dma_semaphore, #tpu.memory_space<semaphore_mem>>)
        %dma_wait3A = arith.constant 0 : i32
        %dma_wait3A_81 = tpu.memref_slice %arg7[%add3A_55, %dma_wait3A] : memref<10240x128xf32, #tpu.memory_space<hbm>> -> memref<128x128xf32, #tpu.memory_space<hbm>>
        %dma_wait3A_82 = arith.constant 0 : i32
        %dma_wait3A_83 = tpu.memref_slice %arg7[%add3A_55, %dma_wait3A_82] : memref<10240x128xf32, #tpu.memory_space<hbm>> -> memref<128x128xf32, #tpu.memory_space<hbm>>
        tpu.wait_dma2 semaphore(%run_scoped3A : memref<!tpu.dma_semaphore, #tpu.memory_space<semaphore_mem>>) src(%arg9 : memref<128x128xf32, #tpu.memory_space<vmem>>) dst(%dma_wait3A_83 : memref<128x128xf32, #tpu.memory_space<hbm>>)
        tpu.yield
      }) : () -> ()
    } else {
    }
    %add3A_66 = arith.constant 512 : i32
    %add3A_67 = arith.addi %mul3A_0, %add3A_66 : i32
    "tpu.region"() ({
      %run_scoped3A = tpu.sem_alloc : memref<!tpu.dma_semaphore, #tpu.memory_space<semaphore_mem>>
      %dma_start3A = arith.constant 0 : i32
      %dma_start3A_78 = tpu.memref_slice %arg8[%add3A_67, %dma_start3A] : memref<10240x128xf32, #tpu.memory_space<vmem_shared>> -> memref<128x128xf32, #tpu.memory_space<vmem_shared>>
      %dma_start3A_79 = arith.constant 0 : i32
      %dma_start3A_80 = tpu.memref_slice %arg8[%add3A_67, %dma_start3A_79] : memref<10240x128xf32, #tpu.memory_space<vmem_shared>> -> memref<128x128xf32, #tpu.memory_space<vmem_shared>>
      tpu.enqueue_dma source(%dma_start3A_80 : memref<128x128xf32, #tpu.memory_space<vmem_shared>>) target(%arg9 : memref<128x128xf32, #tpu.memory_space<vmem>>) target_semaphore(%run_scoped3A : memref<!tpu.dma_semaphore, #tpu.memory_space<semaphore_mem>>)
      %dma_wait3A = arith.constant 0 : i32
      %dma_wait3A_81 = tpu.memref_slice %arg8[%add3A_67, %dma_wait3A] : memref<10240x128xf32, #tpu.memory_space<vmem_shared>> -> memref<128x128xf32, #tpu.memory_space<vmem_shared>>
      %dma_wait3A_82 = arith.constant 0 : i32
      %dma_wait3A_83 = tpu.memref_slice %arg8[%add3A_67, %dma_wait3A_82] : memref<10240x128xf32, #tpu.memory_space<vmem_shared>> -> memref<128x128xf32, #tpu.memory_space<vmem_shared>>
      tpu.wait_dma2 semaphore(%run_scoped3A : memref<!tpu.dma_semaphore, #tpu.memory_space<semaphore_mem>>) src(%dma_wait3A_83 : memref<128x128xf32, #tpu.memory_space<vmem_shared>>) dst(%arg9 : memref<128x128xf32, #tpu.memory_space<vmem>>)
      tpu.yield
    }) : () -> ()
    %eq3A_68 = arith.constant 0 : i32
    %eq3A_69 = arith.cmpi eq, %arg0, %eq3A_68 : i32
    %convert_element_type3A_70 = arith.extui %eq3A_69 : i1 to i32
    %cond3A_71 = arith.constant 0 : i32
    %cond3A_72 = arith.cmpi ne, %convert_element_type3A_70, %cond3A_71 : i32
    scf.if %cond3A_72 {
      "tpu.region"() ({
        %run_scoped3A = tpu.sem_alloc : memref<!tpu.dma_semaphore, #tpu.memory_space<semaphore_mem>>
        %dma_start3A = arith.constant 0 : i32
        %dma_start3A_78 = tpu.memref_slice %arg6[%add3A_67, %dma_start3A] : memref<10240x128xf32, #tpu.memory_space<hbm>> -> memref<128x128xf32, #tpu.memory_space<hbm>>
        %dma_start3A_79 = arith.constant 0 : i32
        %dma_start3A_80 = tpu.memref_slice %arg6[%add3A_67, %dma_start3A_79] : memref<10240x128xf32, #tpu.memory_space<hbm>> -> memref<128x128xf32, #tpu.memory_space<hbm>>
        tpu.enqueue_dma source(%arg9 : memref<128x128xf32, #tpu.memory_space<vmem>>) target(%dma_start3A_80 : memref<128x128xf32, #tpu.memory_space<hbm>>) target_semaphore(%run_scoped3A : memref<!tpu.dma_semaphore, #tpu.memory_space<semaphore_mem>>)
        %dma_wait3A = arith.constant 0 : i32
        %dma_wait3A_81 = tpu.memref_slice %arg6[%add3A_67, %dma_wait3A] : memref<10240x128xf32, #tpu.memory_space<hbm>> -> memref<128x128xf32, #tpu.memory_space<hbm>>
        %dma_wait3A_82 = arith.constant 0 : i32
        %dma_wait3A_83 = tpu.memref_slice %arg6[%add3A_67, %dma_wait3A_82] : memref<10240x128xf32, #tpu.memory_space<hbm>> -> memref<128x128xf32, #tpu.memory_space<hbm>>
        tpu.wait_dma2 semaphore(%run_scoped3A : memref<!tpu.dma_semaphore, #tpu.memory_space<semaphore_mem>>) src(%arg9 : memref<128x128xf32, #tpu.memory_space<vmem>>) dst(%dma_wait3A_83 : memref<128x128xf32, #tpu.memory_space<hbm>>)
        tpu.yield
      }) : () -> ()
    } else {
    }
    %eq3A_73 = arith.constant 1 : i32
    %eq3A_74 = arith.cmpi eq, %arg0, %eq3A_73 : i32
    %convert_element_type3A_75 = arith.extui %eq3A_74 : i1 to i32
    %cond3A_76 = arith.constant 0 : i32
    %cond3A_77 = arith.cmpi ne, %convert_element_type3A_75, %cond3A_76 : i32
    scf.if %cond3A_77 {
      "tpu.region"() ({
        %run_scoped3A = tpu.sem_alloc : memref<!tpu.dma_semaphore, #tpu.memory_space<semaphore_mem>>
        %dma_start3A = arith.constant 0 : i32
        %dma_start3A_78 = tpu.memref_slice %arg7[%add3A_67, %dma_start3A] : memref<10240x128xf32, #tpu.memory_space<hbm>> -> memref<128x128xf32, #tpu.memory_space<hbm>>
        %dma_start3A_79 = arith.constant 0 : i32
        %dma_start3A_80 = tpu.memref_slice %arg7[%add3A_67, %dma_start3A_79] : memref<10240x128xf32, #tpu.memory_space<hbm>> -> memref<128x128xf32, #tpu.memory_space<hbm>>
        tpu.enqueue_dma source(%arg9 : memref<128x128xf32, #tpu.memory_space<vmem>>) target(%dma_start3A_80 : memref<128x128xf32, #tpu.memory_space<hbm>>) target_semaphore(%run_scoped3A : memref<!tpu.dma_semaphore, #tpu.memory_space<semaphore_mem>>)
        %dma_wait3A = arith.constant 0 : i32
        %dma_wait3A_81 = tpu.memref_slice %arg7[%add3A_67, %dma_wait3A] : memref<10240x128xf32, #tpu.memory_space<hbm>> -> memref<128x128xf32, #tpu.memory_space<hbm>>
        %dma_wait3A_82 = arith.constant 0 : i32
        %dma_wait3A_83 = tpu.memref_slice %arg7[%add3A_67, %dma_wait3A_82] : memref<10240x128xf32, #tpu.memory_space<hbm>> -> memref<128x128xf32, #tpu.memory_space<hbm>>
        tpu.wait_dma2 semaphore(%run_scoped3A : memref<!tpu.dma_semaphore, #tpu.memory_space<semaphore_mem>>) src(%arg9 : memref<128x128xf32, #tpu.memory_space<vmem>>) dst(%dma_wait3A_83 : memref<128x128xf32, #tpu.memory_space<hbm>>)
        tpu.yield
      }) : () -> ()
    } else {
    }
    return
  }
}

#map = affine_map<(d0, d1) -> (0, 0)>
#map1 = affine_map<(d0, d1) -> (0)>
module attributes {stable_mosaic.version = 14 : i64} {
  func.func @_gather_body(%arg0: i32, %arg1: i32, %arg2: memref<10000x128xf32, #tpu.memory_space<hbm>>, %arg3: memref<320000xi32, #tpu.memory_space<hbm>>, %arg4: memref<320000x128xf32, #tpu.memory_space<hbm>>, %arg5: memref<10000xi32, #tpu.memory_space<vmem>>, %arg6: memref<200x128xf32, #tpu.memory_space<vmem>>, %arg7: memref<200x128xf32, #tpu.memory_space<vmem>>, %arg8: memref<!tpu.dma_semaphore, #tpu.memory_space<semaphore_mem>>, %arg9: memref<!tpu.dma_semaphore, #tpu.memory_space<semaphore_mem>>, %arg10: memref<!tpu.dma_semaphore, #tpu.memory_space<semaphore_mem>>, %arg11: memref<!tpu.dma_semaphore, #tpu.memory_space<semaphore_mem>>) attributes {dimension_semantics = [#tpu.dimension_semantics<core_parallel>, #tpu.dimension_semantics<subcore_parallel>], iteration_bounds = array<i64: 2, 16>, scalar_prefetch = 0 : i64, scratch_operands = 7 : i64, tpu.core_type = #tpu.core_type<sc_vector_subcore>, window_params = [{transform_indices = #map}, {transform_indices = #map1}, {transform_indices = #map}]} {
    %mul3A = arith.constant 2 : i32
    %mul3A_0 = arith.muli %arg1, %mul3A : i32
    %add3A = arith.addi %mul3A_0, %arg0 : i32
    %mul3A_1 = arith.constant 10000 : i32
    %mul3A_2 = arith.muli %add3A, %mul3A_1 : i32
    "tpu.region"() ({
      %run_scoped3A = tpu.sem_alloc : memref<!tpu.dma_semaphore, #tpu.memory_space<semaphore_mem>>
      %dma_start3A_17 = tpu.memref_slice %arg3[%mul3A_2] : memref<320000xi32, #tpu.memory_space<hbm>> -> memref<10000xi32, #tpu.memory_space<hbm>>
      %dma_start3A_18 = tpu.memref_slice %arg3[%mul3A_2] : memref<320000xi32, #tpu.memory_space<hbm>> -> memref<10000xi32, #tpu.memory_space<hbm>>
      tpu.enqueue_dma source(%dma_start3A_18 : memref<10000xi32, #tpu.memory_space<hbm>>) target(%arg5 : memref<10000xi32, #tpu.memory_space<vmem>>) target_semaphore(%run_scoped3A : memref<!tpu.dma_semaphore, #tpu.memory_space<semaphore_mem>>)
      %dma_wait3A = tpu.memref_slice %arg3[%mul3A_2] : memref<320000xi32, #tpu.memory_space<hbm>> -> memref<10000xi32, #tpu.memory_space<hbm>>
      %dma_wait3A_19 = tpu.memref_slice %arg3[%mul3A_2] : memref<320000xi32, #tpu.memory_space<hbm>> -> memref<10000xi32, #tpu.memory_space<hbm>>
      tpu.wait_dma2 semaphore(%run_scoped3A : memref<!tpu.dma_semaphore, #tpu.memory_space<semaphore_mem>>) src(%dma_wait3A_19 : memref<10000xi32, #tpu.memory_space<hbm>>) dst(%arg5 : memref<10000xi32, #tpu.memory_space<vmem>>)
      tpu.yield
    }) : () -> ()
    %dma_start3A = arith.constant 0 : i32
    %dma_start3A_3 = tpu.memref_slice %arg5[%dma_start3A] : memref<10000xi32, #tpu.memory_space<vmem>> -> memref<200xi32, #tpu.memory_space<vmem>>
    %dma_start3A_4 = arith.constant 0 : i32
    %dma_start3A_5 = arith.constant 0 : i32
    %dma_start3A_6 = tpu.memref_slice %arg2[%dma_start3A_4, %dma_start3A_5] : memref<10000x128xf32, #tpu.memory_space<hbm>> -> memref<10000x128xf32, #tpu.memory_space<hbm>>
    tpu.enqueue_indirect_dma source(%dma_start3A_6 : memref<10000x128xf32, #tpu.memory_space<hbm>>) target(%arg6 : memref<200x128xf32, #tpu.memory_space<vmem>>) offsets(%dma_start3A_3 : memref<200xi32, #tpu.memory_space<vmem>>) semaphore(%arg8 : memref<!tpu.dma_semaphore, #tpu.memory_space<semaphore_mem>>)
    %dma_start3A_7 = arith.constant 200 : i32
    %dma_start3A_8 = tpu.memref_slice %arg5[%dma_start3A_7] : memref<10000xi32, #tpu.memory_space<vmem>> -> memref<200xi32, #tpu.memory_space<vmem>>
    %dma_start3A_9 = arith.constant 0 : i32
    %dma_start3A_10 = arith.constant 0 : i32
    %dma_start3A_11 = tpu.memref_slice %arg2[%dma_start3A_9, %dma_start3A_10] : memref<10000x128xf32, #tpu.memory_space<hbm>> -> memref<10000x128xf32, #tpu.memory_space<hbm>>
    tpu.enqueue_indirect_dma source(%dma_start3A_11 : memref<10000x128xf32, #tpu.memory_space<hbm>>) target(%arg7 : memref<200x128xf32, #tpu.memory_space<vmem>>) offsets(%dma_start3A_8 : memref<200xi32, #tpu.memory_space<vmem>>) semaphore(%arg9 : memref<!tpu.dma_semaphore, #tpu.memory_space<semaphore_mem>>)
    %scan3A = arith.constant 0 : i32
    %scan3A_12 = arith.constant 0 : i32
    %scan3A_13 = arith.constant 25 : i32
    %scan3A_14 = arith.addi %scan3A_12, %scan3A_13 : i32
    %scan3A_15 = arith.constant 1 : i32
    scf.for %scan3A_17 = %scan3A_12 to %scan3A_14 step %scan3A_15  : i32 {
      %mul3A_18 = arith.constant 2 : i32
      %mul3A_19 = arith.muli %mul3A_18, %scan3A_17 : i32
      %mul3A_20 = arith.constant 2 : i32
      %mul3A_21 = arith.muli %mul3A_20, %scan3A_17 : i32
      %add3A_22 = arith.constant 1 : i32
      %add3A_23 = arith.addi %mul3A_21, %add3A_22 : i32
      %dma_wait3A = arith.constant 0 : i32
      %dma_wait3A_24 = tpu.memref_slice %arg5[%dma_wait3A] : memref<10000xi32, #tpu.memory_space<vmem>> -> memref<200xi32, #tpu.memory_space<vmem>>
      %dma_wait3A_25 = arith.constant 0 : i32
      %dma_wait3A_26 = arith.constant 0 : i32
      %dma_wait3A_27 = tpu.memref_slice %arg2[%dma_wait3A_25, %dma_wait3A_26] : memref<10000x128xf32, #tpu.memory_space<hbm>> -> memref<10000x128xf32, #tpu.memory_space<hbm>>
      tpu.wait_indirect_dma semaphore(%arg8 : memref<!tpu.dma_semaphore, #tpu.memory_space<semaphore_mem>>) src(%dma_wait3A_27 : memref<10000x128xf32, #tpu.memory_space<hbm>>) dst(%arg6 : memref<200x128xf32, #tpu.memory_space<vmem>>)
      %mul3A_28 = arith.constant 200 : i32
      %mul3A_29 = arith.muli %mul3A_19, %mul3A_28 : i32
      %add3A_30 = arith.addi %mul3A_2, %mul3A_29 : i32
      %dma_start3A_31 = arith.constant 0 : i32
      %dma_start3A_32 = tpu.memref_slice %arg4[%add3A_30, %dma_start3A_31] : memref<320000x128xf32, #tpu.memory_space<hbm>> -> memref<200x128xf32, #tpu.memory_space<hbm>>
      %dma_start3A_33 = arith.constant 0 : i32
      %dma_start3A_34 = tpu.memref_slice %arg4[%add3A_30, %dma_start3A_33] : memref<320000x128xf32, #tpu.memory_space<hbm>> -> memref<200x128xf32, #tpu.memory_space<hbm>>
      tpu.enqueue_dma source(%arg6 : memref<200x128xf32, #tpu.memory_space<vmem>>) target(%dma_start3A_34 : memref<200x128xf32, #tpu.memory_space<hbm>>) target_semaphore(%arg10 : memref<!tpu.dma_semaphore, #tpu.memory_space<semaphore_mem>>)
      %dma_wait3A_35 = arith.constant 0 : i32
      %dma_wait3A_36 = tpu.memref_slice %arg5[%dma_wait3A_35] : memref<10000xi32, #tpu.memory_space<vmem>> -> memref<200xi32, #tpu.memory_space<vmem>>
      %dma_wait3A_37 = arith.constant 0 : i32
      %dma_wait3A_38 = arith.constant 0 : i32
      %dma_wait3A_39 = tpu.memref_slice %arg2[%dma_wait3A_37, %dma_wait3A_38] : memref<10000x128xf32, #tpu.memory_space<hbm>> -> memref<10000x128xf32, #tpu.memory_space<hbm>>
      tpu.wait_indirect_dma semaphore(%arg9 : memref<!tpu.dma_semaphore, #tpu.memory_space<semaphore_mem>>) src(%dma_wait3A_39 : memref<10000x128xf32, #tpu.memory_space<hbm>>) dst(%arg7 : memref<200x128xf32, #tpu.memory_space<vmem>>)
      %mul3A_40 = arith.constant 200 : i32
      %mul3A_41 = arith.muli %add3A_23, %mul3A_40 : i32
      %add3A_42 = arith.addi %mul3A_2, %mul3A_41 : i32
      %dma_start3A_43 = arith.constant 0 : i32
      %dma_start3A_44 = tpu.memref_slice %arg4[%add3A_42, %dma_start3A_43] : memref<320000x128xf32, #tpu.memory_space<hbm>> -> memref<200x128xf32, #tpu.memory_space<hbm>>
      %dma_start3A_45 = arith.constant 0 : i32
      %dma_start3A_46 = tpu.memref_slice %arg4[%add3A_42, %dma_start3A_45] : memref<320000x128xf32, #tpu.memory_space<hbm>> -> memref<200x128xf32, #tpu.memory_space<hbm>>
      tpu.enqueue_dma source(%arg7 : memref<200x128xf32, #tpu.memory_space<vmem>>) target(%dma_start3A_46 : memref<200x128xf32, #tpu.memory_space<hbm>>) target_semaphore(%arg11 : memref<!tpu.dma_semaphore, #tpu.memory_space<semaphore_mem>>)
      %dma_wait3A_47 = arith.constant 0 : i32
      %dma_wait3A_48 = tpu.memref_slice %arg4[%mul3A_2, %dma_wait3A_47] : memref<320000x128xf32, #tpu.memory_space<hbm>> -> memref<200x128xf32, #tpu.memory_space<hbm>>
      %dma_wait3A_49 = arith.constant 0 : i32
      %dma_wait3A_50 = tpu.memref_slice %arg4[%mul3A_2, %dma_wait3A_49] : memref<320000x128xf32, #tpu.memory_space<hbm>> -> memref<200x128xf32, #tpu.memory_space<hbm>>
      tpu.wait_dma2 semaphore(%arg10 : memref<!tpu.dma_semaphore, #tpu.memory_space<semaphore_mem>>) src(%arg6 : memref<200x128xf32, #tpu.memory_space<vmem>>) dst(%dma_wait3A_50 : memref<200x128xf32, #tpu.memory_space<hbm>>)
      %add3A_51 = arith.constant 2 : i32
      %add3A_52 = arith.addi %mul3A_19, %add3A_51 : i32
      %lt3A = arith.constant 50 : i32
      %lt3A_53 = arith.cmpi slt, %add3A_52, %lt3A : i32
      %convert_element_type3A = arith.extui %lt3A_53 : i1 to i32
      %cond3A = arith.constant 0 : i32
      %cond3A_54 = arith.cmpi ne, %convert_element_type3A, %cond3A : i32
      scf.if %cond3A_54 {
        %add3A_66 = arith.constant 2 : i32
        %add3A_67 = arith.addi %mul3A_19, %add3A_66 : i32
        %mul3A_68 = arith.constant 200 : i32
        %mul3A_69 = arith.muli %add3A_67, %mul3A_68 : i32
        %dma_start3A_70 = tpu.memref_slice %arg5[%mul3A_69] : memref<10000xi32, #tpu.memory_space<vmem>> -> memref<200xi32, #tpu.memory_space<vmem>>
        %dma_start3A_71 = arith.constant 0 : i32
        %dma_start3A_72 = arith.constant 0 : i32
        %dma_start3A_73 = tpu.memref_slice %arg2[%dma_start3A_71, %dma_start3A_72] : memref<10000x128xf32, #tpu.memory_space<hbm>> -> memref<10000x128xf32, #tpu.memory_space<hbm>>
        tpu.enqueue_indirect_dma source(%dma_start3A_73 : memref<10000x128xf32, #tpu.memory_space<hbm>>) target(%arg6 : memref<200x128xf32, #tpu.memory_space<vmem>>) offsets(%dma_start3A_70 : memref<200xi32, #tpu.memory_space<vmem>>) semaphore(%arg8 : memref<!tpu.dma_semaphore, #tpu.memory_space<semaphore_mem>>)
      } else {
      }
      %dma_wait3A_55 = arith.constant 0 : i32
      %dma_wait3A_56 = tpu.memref_slice %arg4[%mul3A_2, %dma_wait3A_55] : memref<320000x128xf32, #tpu.memory_space<hbm>> -> memref<200x128xf32, #tpu.memory_space<hbm>>
      %dma_wait3A_57 = arith.constant 0 : i32
      %dma_wait3A_58 = tpu.memref_slice %arg4[%mul3A_2, %dma_wait3A_57] : memref<320000x128xf32, #tpu.memory_space<hbm>> -> memref<200x128xf32, #tpu.memory_space<hbm>>
      tpu.wait_dma2 semaphore(%arg11 : memref<!tpu.dma_semaphore, #tpu.memory_space<semaphore_mem>>) src(%arg7 : memref<200x128xf32, #tpu.memory_space<vmem>>) dst(%dma_wait3A_58 : memref<200x128xf32, #tpu.memory_space<hbm>>)
      %add3A_59 = arith.constant 2 : i32
      %add3A_60 = arith.addi %add3A_23, %add3A_59 : i32
      %lt3A_61 = arith.constant 50 : i32
      %lt3A_62 = arith.cmpi slt, %add3A_60, %lt3A_61 : i32
      %convert_element_type3A_63 = arith.extui %lt3A_62 : i1 to i32
      %cond3A_64 = arith.constant 0 : i32
      %cond3A_65 = arith.cmpi ne, %convert_element_type3A_63, %cond3A_64 : i32
      scf.if %cond3A_65 {
        %add3A_66 = arith.constant 2 : i32
        %add3A_67 = arith.addi %add3A_23, %add3A_66 : i32
        %mul3A_68 = arith.constant 200 : i32
        %mul3A_69 = arith.muli %add3A_67, %mul3A_68 : i32
        %dma_start3A_70 = tpu.memref_slice %arg5[%mul3A_69] : memref<10000xi32, #tpu.memory_space<vmem>> -> memref<200xi32, #tpu.memory_space<vmem>>
        %dma_start3A_71 = arith.constant 0 : i32
        %dma_start3A_72 = arith.constant 0 : i32
        %dma_start3A_73 = tpu.memref_slice %arg2[%dma_start3A_71, %dma_start3A_72] : memref<10000x128xf32, #tpu.memory_space<hbm>> -> memref<10000x128xf32, #tpu.memory_space<hbm>>
        tpu.enqueue_indirect_dma source(%dma_start3A_73 : memref<10000x128xf32, #tpu.memory_space<hbm>>) target(%arg7 : memref<200x128xf32, #tpu.memory_space<vmem>>) offsets(%dma_start3A_70 : memref<200xi32, #tpu.memory_space<vmem>>) semaphore(%arg9 : memref<!tpu.dma_semaphore, #tpu.memory_space<semaphore_mem>>)
      } else {
      }
    }
    %scan3A_16 = arith.constant 25 : i32
    return
  }
}

module attributes {stable_mosaic.version = 14 : i64} {
  func.func @_q_body(%arg0: memref<10000x128xf32, #tpu.memory_space<vmem>>, %arg1: memref<1x32xf32, #tpu.memory_space<vmem>>, %arg2: memref<128x128xf32, #tpu.memory_space<vmem>>, %arg3: memref<128x32xf32, #tpu.memory_space<vmem>>, %arg4: memref<1x128xf32, #tpu.memory_space<vmem>>, %arg5: memref<10000x128xf32, #tpu.memory_space<vmem>>) attributes {dimension_semantics = [], scalar_prefetch = 0 : i64, scratch_operands = 0 : i64, tpu.core_type = #tpu.core_type<tc>} {
    %get3A = arith.constant 0 : index
    %get3A_0 = arith.constant 0 : index
    %get3A_1 = vector.load %arg0[%get3A, %get3A_0] : memref<10000x128xf32, #tpu.memory_space<vmem>>, vector<10000x128xf32>
    %get3A_2 = arith.constant 0 : index
    %get3A_3 = arith.constant 0 : index
    %get3A_4 = vector.load %arg2[%get3A_2, %get3A_3] : memref<128x128xf32, #tpu.memory_space<vmem>>, vector<128x128xf32>
    %transpose3A = tpu.transpose %get3A_4, [1, 0] : vector<128x128xf32> -> vector<128x128xf32>
    %dot_general3A = arith.constant dense<0.000000e+00> : vector<10000x128xf32>
    %dot_general3A_5 = tpu.matmul %get3A_1, %transpose3A, %dot_general3A {dimension_numbers = #tpu.dot_dimension_numbers<[1], [0], [0], [1], [0, 0, 1, 1], [], []>, transpose_lhs_hint = false} : vector<10000x128xf32>, vector<128x128xf32>, vector<10000x128xf32> -> vector<10000x128xf32>
    %get3A_6 = arith.constant 0 : index
    %get3A_7 = arith.constant 0 : index
    %get3A_8 = vector.load %arg1[%get3A_6, %get3A_7] : memref<1x32xf32, #tpu.memory_space<vmem>>, vector<1x32xf32>
    %get3A_9 = arith.constant 0 : index
    %get3A_10 = arith.constant 0 : index
    %get3A_11 = vector.load %arg3[%get3A_9, %get3A_10] : memref<128x32xf32, #tpu.memory_space<vmem>>, vector<128x32xf32>
    %transpose3A_12 = tpu.transpose %get3A_11, [1, 0] : vector<128x32xf32> -> vector<32x128xf32>
    %dot_general3A_13 = arith.constant dense<0.000000e+00> : vector<1x128xf32>
    %dot_general3A_14 = tpu.matmul %get3A_8, %transpose3A_12, %dot_general3A_13 {dimension_numbers = #tpu.dot_dimension_numbers<[1], [0], [0], [1], [0, 0, 1, 1], [], []>, transpose_lhs_hint = false} : vector<1x32xf32>, vector<32x128xf32>, vector<1x128xf32> -> vector<1x128xf32>
    %add3A = vector.broadcast %dot_general3A_14 : vector<1x128xf32> to vector<10000x128xf32>
    %add3A_15 = arith.addf %dot_general3A_5, %add3A : vector<10000x128xf32>
    %get3A_16 = arith.constant 0 : index
    %get3A_17 = arith.constant 0 : index
    %get3A_18 = vector.load %arg4[%get3A_16, %get3A_17] : memref<1x128xf32, #tpu.memory_space<vmem>>, vector<1x128xf32>
    %add3A_19 = vector.broadcast %get3A_18 : vector<1x128xf32> to vector<10000x128xf32>
    %add3A_20 = arith.addf %add3A_15, %add3A_19 : vector<10000x128xf32>
    %swap3A = arith.constant 0 : index
    %swap3A_21 = arith.constant 0 : index
    %swap3A_22 = vector.load %arg5[%swap3A, %swap3A_21] : memref<10000x128xf32, #tpu.memory_space<vmem>>, vector<10000x128xf32>
    tpu.vector_store %arg5[%swap3A, %swap3A_21], %add3A_20 {strides = array<i32>} : memref<10000x128xf32, #tpu.memory_space<vmem>>, vector<10000x128xf32>,
    return
  }
}

module attributes {stable_mosaic.version = 14 : i64} {
  func.func @_kv_body(%arg0: i32, %arg1: memref<3200x128xf32, #tpu.memory_space<vmem>>, %arg2: memref<3200x16xf32, #tpu.memory_space<vmem>>, %arg3: memref<3200x1xf32, #tpu.memory_space<vmem>>, %arg4: memref<3200x128xf32, #tpu.memory_space<vmem>>, %arg5: memref<256x128xf32, #tpu.memory_space<vmem>>, %arg6: memref<256x16xf32, #tpu.memory_space<vmem>>, %arg7: memref<256x32xf32, #tpu.memory_space<vmem>>, %arg8: memref<1x256xf32, #tpu.memory_space<vmem>>, %arg9: memref<1x32xf32, #tpu.memory_space<vmem>>, %arg10: memref<1x32xf32, #tpu.memory_space<vmem>>, %arg11: memref<3200x128xf32, #tpu.memory_space<vmem>>, %arg12: memref<3200x128xf32, #tpu.memory_space<vmem>>) attributes {dimension_semantics = [#tpu.dimension_semantics<arbitrary>], iteration_bounds = array<i64: 100>, scalar_prefetch = 0 : i64, scratch_operands = 0 : i64, tpu.core_type = #tpu.core_type<tc>, window_params = [{transform_indices = @transform_0, window_bounds = array<i64: 3200, 128>}, {transform_indices = @transform_1, window_bounds = array<i64: 3200, 16>}, {transform_indices = @transform_2, window_bounds = array<i64: 3200, 1>}, {transform_indices = @transform_3, window_bounds = array<i64: 3200, 128>}, {pipeline_mode = #tpu.pipeline_mode<synchronous>, transform_indices = @transform_4, window_bounds = array<i64: 256, 128>}, {pipeline_mode = #tpu.pipeline_mode<synchronous>, transform_indices = @transform_5, window_bounds = array<i64: 256, 16>}, {pipeline_mode = #tpu.pipeline_mode<synchronous>, transform_indices = @transform_6, window_bounds = array<i64: 256, 32>}, {pipeline_mode = #tpu.pipeline_mode<synchronous>, transform_indices = @transform_7, window_bounds = array<i64: 1, 256>}, {pipeline_mode = #tpu.pipeline_mode<synchronous>, transform_indices = @transform_8, window_bounds = array<i64: 1, 32>}, {pipeline_mode = #tpu.pipeline_mode<synchronous>, transform_indices = @transform_9, window_bounds = array<i64: 1, 32>}, {transform_indices = @transform_10, window_bounds = array<i64: 3200, 128>}, {transform_indices = @transform_11, window_bounds = array<i64: 3200, 128>}]} {
    %get3A = arith.constant 0 : index
    %get3A_0 = arith.constant 0 : index
    %get3A_1 = vector.load %arg3[%get3A, %get3A_0] : memref<3200x1xf32, #tpu.memory_space<vmem>>, vector<3200x1xf32>
    %get3A_2 = arith.constant 0 : index
    %get3A_3 = arith.constant 0 : index
    %get3A_4 = vector.load %arg9[%get3A_2, %get3A_3] : memref<1x32xf32, #tpu.memory_space<vmem>>, vector<1x32xf32>
    %mul3A = vector.broadcast %get3A_1 : vector<3200x1xf32> to vector<3200x32xf32>
    %mul3A_5 = vector.broadcast %get3A_4 : vector<1x32xf32> to vector<3200x32xf32>
    %mul3A_6 = arith.mulf %mul3A, %mul3A_5 : vector<3200x32xf32>
    %get3A_7 = arith.constant 0 : index
    %get3A_8 = arith.constant 0 : index
    %get3A_9 = vector.load %arg10[%get3A_7, %get3A_8] : memref<1x32xf32, #tpu.memory_space<vmem>>, vector<1x32xf32>
    %add3A = vector.broadcast %get3A_9 : vector<1x32xf32> to vector<3200x32xf32>
    %add3A_10 = arith.addf %mul3A_6, %add3A : vector<3200x32xf32>
    %cos3A = math.cos %add3A_10 : vector<3200x32xf32>
    %get3A_11 = arith.constant 0 : index
    %get3A_12 = arith.constant 0 : index
    %get3A_13 = vector.load %arg1[%get3A_11, %get3A_12] : memref<3200x128xf32, #tpu.memory_space<vmem>>, vector<3200x128xf32>
    %get3A_14 = arith.constant 0 : index
    %get3A_15 = arith.constant 0 : index
    %get3A_16 = vector.load %arg5[%get3A_14, %get3A_15] : memref<256x128xf32, #tpu.memory_space<vmem>>, vector<256x128xf32>
    %transpose3A = tpu.transpose %get3A_16, [1, 0] : vector<256x128xf32> -> vector<128x256xf32>
    %dot_general3A = arith.constant dense<0.000000e+00> : vector<3200x256xf32>
    %dot_general3A_17 = tpu.matmul %get3A_13, %transpose3A, %dot_general3A {dimension_numbers = #tpu.dot_dimension_numbers<[1], [0], [0], [1], [0, 0, 1, 1], [], []>, transpose_lhs_hint = false} : vector<3200x128xf32>, vector<128x256xf32>, vector<3200x256xf32> -> vector<3200x256xf32>
    %get3A_18 = arith.constant 0 : index
    %get3A_19 = arith.constant 0 : index
    %get3A_20 = vector.load %arg2[%get3A_18, %get3A_19] : memref<3200x16xf32, #tpu.memory_space<vmem>>, vector<3200x16xf32>
    %get3A_21 = arith.constant 0 : index
    %get3A_22 = arith.constant 0 : index
    %get3A_23 = vector.load %arg6[%get3A_21, %get3A_22] : memref<256x16xf32, #tpu.memory_space<vmem>>, vector<256x16xf32>
    %transpose3A_24 = tpu.transpose %get3A_23, [1, 0] : vector<256x16xf32> -> vector<16x256xf32>
    %dot_general3A_25 = arith.constant dense<0.000000e+00> : vector<3200x256xf32>
    %dot_general3A_26 = tpu.matmul %get3A_20, %transpose3A_24, %dot_general3A_25 {dimension_numbers = #tpu.dot_dimension_numbers<[1], [0], [0], [1], [0, 0, 1, 1], [], []>, transpose_lhs_hint = false} : vector<3200x16xf32>, vector<16x256xf32>, vector<3200x256xf32> -> vector<3200x256xf32>
    %add3A_27 = arith.addf %dot_general3A_17, %dot_general3A_26 : vector<3200x256xf32>
    %get3A_28 = arith.constant 0 : index
    %get3A_29 = arith.constant 0 : index
    %get3A_30 = vector.load %arg7[%get3A_28, %get3A_29] : memref<256x32xf32, #tpu.memory_space<vmem>>, vector<256x32xf32>
    %transpose3A_31 = tpu.transpose %get3A_30, [1, 0] : vector<256x32xf32> -> vector<32x256xf32>
    %dot_general3A_32 = arith.constant dense<0.000000e+00> : vector<3200x256xf32>
    %dot_general3A_33 = tpu.matmul %cos3A, %transpose3A_31, %dot_general3A_32 {dimension_numbers = #tpu.dot_dimension_numbers<[1], [0], [0], [1], [0, 0, 1, 1], [], []>, transpose_lhs_hint = false} : vector<3200x32xf32>, vector<32x256xf32>, vector<3200x256xf32> -> vector<3200x256xf32>
    %add3A_34 = arith.addf %add3A_27, %dot_general3A_33 : vector<3200x256xf32>
    %get3A_35 = arith.constant 0 : index
    %get3A_36 = arith.constant 0 : index
    %get3A_37 = vector.load %arg8[%get3A_35, %get3A_36] : memref<1x256xf32, #tpu.memory_space<vmem>>, vector<1x256xf32>
    %add3A_38 = vector.broadcast %get3A_37 : vector<1x256xf32> to vector<3200x256xf32>
    %add3A_39 = arith.addf %add3A_34, %add3A_38 : vector<3200x256xf32>
    %slice3A = vector.extract_strided_slice %add3A_39 {offsets = [0, 0], sizes = [3200, 128], strides = [1, 1]} : vector<3200x256xf32> to vector<3200x128xf32>
    %slice3A_40 = vector.extract_strided_slice %add3A_39 {offsets = [0, 128], sizes = [3200, 128], strides = [1, 1]} : vector<3200x256xf32> to vector<3200x128xf32>
    %iota3A = tpu.iota {dimensions = array<i32: 0>} : vector<128x8xi32>
    %jit3A = arith.constant 16 : i32
    %div3A = vector.broadcast %jit3A : i32 to vector<128x8xi32>
    %div3A_41 = arith.divsi %iota3A, %div3A : vector<128x8xi32>
    %sign3A = arith.constant 0 : i32
    %sign3A_42 = vector.broadcast %sign3A : i32 to vector<128x8xi32>
    %sign3A_43 = arith.cmpi sgt, %iota3A, %sign3A_42 : vector<128x8xi32>
    %sign3A_44 = arith.extui %sign3A_43 : vector<128x8xi1> to vector<128x8xi32>
    %sign3A_45 = arith.constant 0 : i32
    %sign3A_46 = vector.broadcast %sign3A_45 : i32 to vector<128x8xi32>
    %sign3A_47 = arith.cmpi slt, %iota3A, %sign3A_46 : vector<128x8xi32>
    %sign3A_48 = arith.extui %sign3A_47 : vector<128x8xi1> to vector<128x8xi32>
    %sign3A_49 = arith.subi %sign3A_44, %sign3A_48 : vector<128x8xi32>
    %sign3A_50 = arith.constant 0 : i32
    %sign3A_51 = arith.cmpi sgt, %jit3A, %sign3A_50 : i32
    %sign3A_52 = arith.extui %sign3A_51 : i1 to i32
    %sign3A_53 = arith.constant 0 : i32
    %sign3A_54 = arith.cmpi slt, %jit3A, %sign3A_53 : i32
    %sign3A_55 = arith.extui %sign3A_54 : i1 to i32
    %sign3A_56 = arith.subi %sign3A_52, %sign3A_55 : i32
    %ne3A = vector.broadcast %sign3A_56 : i32 to vector<128x8xi32>
    %ne3A_57 = arith.cmpi ne, %sign3A_49, %ne3A : vector<128x8xi32>
    %rem3A = vector.broadcast %jit3A : i32 to vector<128x8xi32>
    %rem3A_58 = arith.remsi %iota3A, %rem3A : vector<128x8xi32>
    %ne3A_59 = arith.constant 0 : i32
    %ne3A_60 = vector.broadcast %ne3A_59 : i32 to vector<128x8xi32>
    %ne3A_61 = arith.cmpi ne, %rem3A_58, %ne3A_60 : vector<128x8xi32>
    %and3A = arith.andi %ne3A_57, %ne3A_61 : vector<128x8xi1>
    %sub3A = arith.constant 1 : i32
    %sub3A_62 = vector.broadcast %sub3A : i32 to vector<128x8xi32>
    %sub3A_63 = arith.subi %div3A_41, %sub3A_62 : vector<128x8xi32>
    %select_n3A = arith.select %and3A, %sub3A_63, %div3A_41 : vector<128x8xi1>, vector<128x8xi32>
    %iota3A_64 = tpu.iota {dimensions = array<i32: 1>} : vector<128x8xi32>
    %eq3A = arith.cmpi eq, %select_n3A, %iota3A_64 : vector<128x8xi32>
    %convert_element_type3A = arith.extui %eq3A : vector<128x8xi1> to vector<128x8xi32>
    %convert_element_type3A_65 = arith.sitofp %convert_element_type3A : vector<128x8xi32> to vector<128x8xf32>
    %get3A_66 = arith.constant 0 : index
    %get3A_67 = arith.constant 0 : index
    %get3A_68 = vector.load %arg4[%get3A_66, %get3A_67] : memref<3200x128xf32, #tpu.memory_space<vmem>>, vector<3200x128xf32>
    %mul3A_69 = arith.mulf %get3A_68, %slice3A : vector<3200x128xf32>
    %dot_general3A_70 = arith.constant dense<0.000000e+00> : vector<3200x8xf32>
    %dot_general3A_71 = tpu.matmul %mul3A_69, %convert_element_type3A_65, %dot_general3A_70 {dimension_numbers = #tpu.dot_dimension_numbers<[1], [0], [0], [1], [0, 0, 1, 1], [], []>, transpose_lhs_hint = false} : vector<3200x128xf32>, vector<128x8xf32>, vector<3200x8xf32> -> vector<3200x8xf32>
    %ge3A = arith.constant 0.000000e+00 : f32
    %ge3A_72 = vector.broadcast %ge3A : f32 to vector<3200x8xf32>
    %ge3A_73 = arith.cmpf oge, %dot_general3A_71, %ge3A_72 : vector<3200x8xf32>
    %mul3A_74 = arith.constant 2.000000e-01 : f32
    %mul3A_75 = vector.broadcast %mul3A_74 : f32 to vector<3200x8xf32>
    %mul3A_76 = arith.mulf %mul3A_75, %dot_general3A_71 : vector<3200x8xf32>
    %select_n3A_77 = arith.select %ge3A_73, %dot_general3A_71, %mul3A_76 : vector<3200x8xi1>, vector<3200x8xf32>
    %exp3A = math.exp %select_n3A_77 : vector<3200x8xf32>
    %transpose3A_78 = tpu.transpose %convert_element_type3A_65, [1, 0] : vector<128x8xf32> -> vector<8x128xf32>
    %dot_general3A_79 = arith.constant dense<0.000000e+00> : vector<3200x128xf32>
    %dot_general3A_80 = tpu.matmul %exp3A, %transpose3A_78, %dot_general3A_79 {dimension_numbers = #tpu.dot_dimension_numbers<[1], [0], [0], [1], [0, 0, 1, 1], [], []>, transpose_lhs_hint = false} : vector<3200x8xf32>, vector<8x128xf32>, vector<3200x128xf32> -> vector<3200x128xf32>
    %mul3A_81 = arith.mulf %slice3A_40, %dot_general3A_80 : vector<3200x128xf32>
    %swap3A = arith.constant 0 : index
    %swap3A_82 = arith.constant 0 : index
    %swap3A_83 = vector.load %arg11[%swap3A, %swap3A_82] : memref<3200x128xf32, #tpu.memory_space<vmem>>, vector<3200x128xf32>
    tpu.vector_store %arg11[%swap3A, %swap3A_82], %mul3A_81 {strides = array<i32>} : memref<3200x128xf32, #tpu.memory_space<vmem>>, vector<3200x128xf32>,
    %iota3A_84 = tpu.iota {dimensions = array<i32: 1>} : vector<8x128xi32>
    %iota3A_85 = tpu.iota {dimensions = array<i32: 0>} : vector<8x128xi32>
    %eq3A_86 = arith.cmpi eq, %iota3A_84, %iota3A_85 : vector<8x128xi32>
    %convert_element_type3A_87 = arith.extui %eq3A_86 : vector<8x128xi1> to vector<8x128xi32>
    %convert_element_type3A_88 = arith.sitofp %convert_element_type3A_87 : vector<8x128xi32> to vector<8x128xf32>
    %dot_general3A_89 = arith.constant dense<0.000000e+00> : vector<3200x128xf32>
    %dot_general3A_90 = tpu.matmul %exp3A, %convert_element_type3A_88, %dot_general3A_89 {dimension_numbers = #tpu.dot_dimension_numbers<[1], [0], [0], [1], [0, 0, 1, 1], [], []>, transpose_lhs_hint = false} : vector<3200x8xf32>, vector<8x128xf32>, vector<3200x128xf32> -> vector<3200x128xf32>
    %swap3A_91 = arith.constant 0 : index
    %swap3A_92 = arith.constant 0 : index
    %swap3A_93 = vector.load %arg12[%swap3A_91, %swap3A_92] : memref<3200x128xf32, #tpu.memory_space<vmem>>, vector<3200x128xf32>
    tpu.vector_store %arg12[%swap3A_91, %swap3A_92], %dot_general3A_90 {strides = array<i32>} : memref<3200x128xf32, #tpu.memory_space<vmem>>, vector<3200x128xf32>,
    return
  }
  func.func @transform_0(%arg0: i32) -> (i32, i32) {
    %c0_i32 = arith.constant 0 : i32
    %c0_i32_0 = arith.constant 0 : i32
    return %arg0, %c0_i32 : i32, i32
  }
  func.func @transform_1(%arg0: i32) -> (i32, i32) {
    %c0_i32 = arith.constant 0 : i32
    %c0_i32_0 = arith.constant 0 : i32
    return %arg0, %c0_i32 : i32, i32
  }
  func.func @transform_2(%arg0: i32) -> (i32, i32) {
    %c0_i32 = arith.constant 0 : i32
    %c0_i32_0 = arith.constant 0 : i32
    return %arg0, %c0_i32 : i32, i32
  }
  func.func @transform_3(%arg0: i32) -> (i32, i32) {
    %c0_i32 = arith.constant 0 : i32
    %c0_i32_0 = arith.constant 0 : i32
    return %arg0, %c0_i32 : i32, i32
  }
  func.func @transform_4(%arg0: i32) -> (i32, i32) {
    %c0_i32 = arith.constant 0 : i32
    %c0_i32_0 = arith.constant 0 : i32
    %c0_i32_1 = arith.constant 0 : i32
    return %c0_i32, %c0_i32_0 : i32, i32
  }
  func.func @transform_5(%arg0: i32) -> (i32, i32) {
    %c0_i32 = arith.constant 0 : i32
    %c0_i32_0 = arith.constant 0 : i32
    %c0_i32_1 = arith.constant 0 : i32
    return %c0_i32, %c0_i32_0 : i32, i32
  }
  func.func @transform_6(%arg0: i32) -> (i32, i32) {
    %c0_i32 = arith.constant 0 : i32
    %c0_i32_0 = arith.constant 0 : i32
    %c0_i32_1 = arith.constant 0 : i32
    return %c0_i32, %c0_i32_0 : i32, i32
  }
  func.func @transform_7(%arg0: i32) -> (i32, i32) {
    %c0_i32 = arith.constant 0 : i32
    %c0_i32_0 = arith.constant 0 : i32
    %c0_i32_1 = arith.constant 0 : i32
    return %c0_i32, %c0_i32_0 : i32, i32
  }
  func.func @transform_8(%arg0: i32) -> (i32, i32) {
    %c0_i32 = arith.constant 0 : i32
    %c0_i32_0 = arith.constant 0 : i32
    %c0_i32_1 = arith.constant 0 : i32
    return %c0_i32, %c0_i32_0 : i32, i32
  }
  func.func @transform_9(%arg0: i32) -> (i32, i32) {
    %c0_i32 = arith.constant 0 : i32
    %c0_i32_0 = arith.constant 0 : i32
    %c0_i32_1 = arith.constant 0 : i32
    return %c0_i32, %c0_i32_0 : i32, i32
  }
  func.func @transform_10(%arg0: i32) -> (i32, i32) {
    %c0_i32 = arith.constant 0 : i32
    %c0_i32_0 = arith.constant 0 : i32
    return %arg0, %c0_i32 : i32, i32
  }
  func.func @transform_11(%arg0: i32) -> (i32, i32) {
    %c0_i32 = arith.constant 0 : i32
    %c0_i32_0 = arith.constant 0 : i32
    return %arg0, %c0_i32 : i32, i32
  }
}

module attributes {stable_mosaic.version = 14 : i64} {
  func.func @_final_body(%arg0: i32, %arg1: memref<1000x128xf32, #tpu.memory_space<vmem>>, %arg2: memref<1000x128xf32, #tpu.memory_space<vmem>>, %arg3: memref<1000x128xf32, #tpu.memory_space<vmem>>, %arg4: memref<128x128xf32, #tpu.memory_space<vmem>>, %arg5: memref<128x128xf32, #tpu.memory_space<vmem>>, %arg6: memref<1x128xf32, #tpu.memory_space<vmem>>, %arg7: memref<1x128xf32, #tpu.memory_space<vmem>>, %arg8: memref<1x128xf32, #tpu.memory_space<vmem>>, %arg9: memref<1000x128xf32, #tpu.memory_space<vmem>>) attributes {dimension_semantics = [#tpu.dimension_semantics<arbitrary>], iteration_bounds = array<i64: 10>, scalar_prefetch = 0 : i64, scratch_operands = 0 : i64, tpu.core_type = #tpu.core_type<tc>, window_params = [{transform_indices = @transform_0, window_bounds = array<i64: 1000, 128>}, {transform_indices = @transform_1, window_bounds = array<i64: 1000, 128>}, {transform_indices = @transform_2, window_bounds = array<i64: 1000, 128>}, {pipeline_mode = #tpu.pipeline_mode<synchronous>, transform_indices = @transform_3, window_bounds = array<i64: 128, 128>}, {pipeline_mode = #tpu.pipeline_mode<synchronous>, transform_indices = @transform_4, window_bounds = array<i64: 128, 128>}, {pipeline_mode = #tpu.pipeline_mode<synchronous>, transform_indices = @transform_5, window_bounds = array<i64: 1, 128>}, {pipeline_mode = #tpu.pipeline_mode<synchronous>, transform_indices = @transform_6, window_bounds = array<i64: 1, 128>}, {pipeline_mode = #tpu.pipeline_mode<synchronous>, transform_indices = @transform_7, window_bounds = array<i64: 1, 128>}, {transform_indices = @transform_8, window_bounds = array<i64: 1000, 128>}]} {
    %get3A = arith.constant 0 : index
    %get3A_0 = arith.constant 0 : index
    %get3A_1 = vector.load %arg1[%get3A, %get3A_0] : memref<1000x128xf32, #tpu.memory_space<vmem>>, vector<1000x128xf32>
    %get3A_2 = arith.constant 0 : index
    %get3A_3 = arith.constant 0 : index
    %get3A_4 = vector.load %arg2[%get3A_2, %get3A_3] : memref<1000x128xf32, #tpu.memory_space<vmem>>, vector<1000x8xf32>
    %iota3A = tpu.iota {dimensions = array<i32: 1>} : vector<8x128xi32>
    %jit3A = arith.constant 16 : i32
    %div3A = vector.broadcast %jit3A : i32 to vector<8x128xi32>
    %div3A_5 = arith.divsi %iota3A, %div3A : vector<8x128xi32>
    %sign3A = arith.constant 0 : i32
    %sign3A_6 = vector.broadcast %sign3A : i32 to vector<8x128xi32>
    %sign3A_7 = arith.cmpi sgt, %iota3A, %sign3A_6 : vector<8x128xi32>
    %sign3A_8 = arith.extui %sign3A_7 : vector<8x128xi1> to vector<8x128xi32>
    %sign3A_9 = arith.constant 0 : i32
    %sign3A_10 = vector.broadcast %sign3A_9 : i32 to vector<8x128xi32>
    %sign3A_11 = arith.cmpi slt, %iota3A, %sign3A_10 : vector<8x128xi32>
    %sign3A_12 = arith.extui %sign3A_11 : vector<8x128xi1> to vector<8x128xi32>
    %sign3A_13 = arith.subi %sign3A_8, %sign3A_12 : vector<8x128xi32>
    %sign3A_14 = arith.constant 0 : i32
    %sign3A_15 = arith.cmpi sgt, %jit3A, %sign3A_14 : i32
    %sign3A_16 = arith.extui %sign3A_15 : i1 to i32
    %sign3A_17 = arith.constant 0 : i32
    %sign3A_18 = arith.cmpi slt, %jit3A, %sign3A_17 : i32
    %sign3A_19 = arith.extui %sign3A_18 : i1 to i32
    %sign3A_20 = arith.subi %sign3A_16, %sign3A_19 : i32
    %ne3A = vector.broadcast %sign3A_20 : i32 to vector<8x128xi32>
    %ne3A_21 = arith.cmpi ne, %sign3A_13, %ne3A : vector<8x128xi32>
    %rem3A = vector.broadcast %jit3A : i32 to vector<8x128xi32>
    %rem3A_22 = arith.remsi %iota3A, %rem3A : vector<8x128xi32>
    %ne3A_23 = arith.constant 0 : i32
    %ne3A_24 = vector.broadcast %ne3A_23 : i32 to vector<8x128xi32>
    %ne3A_25 = arith.cmpi ne, %rem3A_22, %ne3A_24 : vector<8x128xi32>
    %and3A = arith.andi %ne3A_21, %ne3A_25 : vector<8x128xi1>
    %sub3A = arith.constant 1 : i32
    %sub3A_26 = vector.broadcast %sub3A : i32 to vector<8x128xi32>
    %sub3A_27 = arith.subi %div3A_5, %sub3A_26 : vector<8x128xi32>
    %select_n3A = arith.select %and3A, %sub3A_27, %div3A_5 : vector<8x128xi1>, vector<8x128xi32>
    %iota3A_28 = tpu.iota {dimensions = array<i32: 0>} : vector<8x128xi32>
    %eq3A = arith.cmpi eq, %select_n3A, %iota3A_28 : vector<8x128xi32>
    %convert_element_type3A = arith.extui %eq3A : vector<8x128xi1> to vector<8x128xi32>
    %convert_element_type3A_29 = arith.sitofp %convert_element_type3A : vector<8x128xi32> to vector<8x128xf32>
    %dot_general3A = arith.constant dense<0.000000e+00> : vector<1000x128xf32>
    %dot_general3A_30 = tpu.matmul %get3A_4, %convert_element_type3A_29, %dot_general3A {dimension_numbers = #tpu.dot_dimension_numbers<[1], [0], [0], [1], [0, 0, 1, 1], [], []>, transpose_lhs_hint = false} : vector<1000x8xf32>, vector<8x128xf32>, vector<1000x128xf32> -> vector<1000x128xf32>
    %add3A = arith.constant 1.000000e-16 : f32
    %add3A_31 = vector.broadcast %add3A : f32 to vector<1000x128xf32>
    %add3A_32 = arith.addf %dot_general3A_30, %add3A_31 : vector<1000x128xf32>
    %div3A_33 = arith.divf %get3A_1, %add3A_32 : vector<1000x128xf32>
    %get3A_34 = arith.constant 0 : index
    %get3A_35 = arith.constant 0 : index
    %get3A_36 = vector.load %arg4[%get3A_34, %get3A_35] : memref<128x128xf32, #tpu.memory_space<vmem>>, vector<128x128xf32>
    %transpose3A = tpu.transpose %get3A_36, [1, 0] : vector<128x128xf32> -> vector<128x128xf32>
    %dot_general3A_37 = arith.constant dense<0.000000e+00> : vector<1000x128xf32>
    %dot_general3A_38 = tpu.matmul %div3A_33, %transpose3A, %dot_general3A_37 {dimension_numbers = #tpu.dot_dimension_numbers<[1], [0], [0], [1], [0, 0, 1, 1], [], []>, transpose_lhs_hint = false} : vector<1000x128xf32>, vector<128x128xf32>, vector<1000x128xf32> -> vector<1000x128xf32>
    %get3A_39 = arith.constant 0 : index
    %get3A_40 = arith.constant 0 : index
    %get3A_41 = vector.load %arg3[%get3A_39, %get3A_40] : memref<1000x128xf32, #tpu.memory_space<vmem>>, vector<1000x128xf32>
    %get3A_42 = arith.constant 0 : index
    %get3A_43 = arith.constant 0 : index
    %get3A_44 = vector.load %arg5[%get3A_42, %get3A_43] : memref<128x128xf32, #tpu.memory_space<vmem>>, vector<128x128xf32>
    %transpose3A_45 = tpu.transpose %get3A_44, [1, 0] : vector<128x128xf32> -> vector<128x128xf32>
    %dot_general3A_46 = arith.constant dense<0.000000e+00> : vector<1000x128xf32>
    %dot_general3A_47 = tpu.matmul %get3A_41, %transpose3A_45, %dot_general3A_46 {dimension_numbers = #tpu.dot_dimension_numbers<[1], [0], [0], [1], [0, 0, 1, 1], [], []>, transpose_lhs_hint = false} : vector<1000x128xf32>, vector<128x128xf32>, vector<1000x128xf32> -> vector<1000x128xf32>
    %add3A_48 = arith.addf %dot_general3A_38, %dot_general3A_47 : vector<1000x128xf32>
    %get3A_49 = arith.constant 0 : index
    %get3A_50 = arith.constant 0 : index
    %get3A_51 = vector.load %arg6[%get3A_49, %get3A_50] : memref<1x128xf32, #tpu.memory_space<vmem>>, vector<1x128xf32>
    %add3A_52 = vector.broadcast %get3A_51 : vector<1x128xf32> to vector<1000x128xf32>
    %add3A_53 = arith.addf %add3A_48, %add3A_52 : vector<1000x128xf32>
    %max3A = arith.constant 0.000000e+00 : f32
    %max3A_54 = vector.broadcast %max3A : f32 to vector<1000x128xf32>
    %max3A_55 = arith.maximumf %add3A_53, %max3A_54 : vector<1000x128xf32>
    %reduce_sum3A = arith.constant dense<0.000000e+00> : vector<1000xf32>
    %reduce_sum3A_56 = vector.multi_reduction <add>, %max3A_55, %reduce_sum3A [1] : vector<1000x128xf32> to vector<1000xf32>
    %broadcast_in_dim3A = vector.shape_cast %reduce_sum3A_56 : vector<1000xf32> to vector<1000x1xf32>
    %div3A_57 = arith.constant 1.280000e+02 : f32
    %div3A_58 = vector.broadcast %div3A_57 : f32 to vector<1000x1xf32>
    %div3A_59 = arith.divf %broadcast_in_dim3A, %div3A_58 : vector<1000x1xf32>
    %sub3A_60 = vector.broadcast %div3A_59 : vector<1000x1xf32> to vector<1000x128xf32>
    %sub3A_61 = arith.subf %max3A_55, %sub3A_60 : vector<1000x128xf32>
    %integer_pow3A = arith.mulf %sub3A_61, %sub3A_61 : vector<1000x128xf32>
    %reduce_sum3A_62 = arith.constant dense<0.000000e+00> : vector<1000xf32>
    %reduce_sum3A_63 = vector.multi_reduction <add>, %integer_pow3A, %reduce_sum3A_62 [1] : vector<1000x128xf32> to vector<1000xf32>
    %broadcast_in_dim3A_64 = vector.shape_cast %reduce_sum3A_63 : vector<1000xf32> to vector<1000x1xf32>
    %div3A_65 = arith.constant 1.280000e+02 : f32
    %div3A_66 = vector.broadcast %div3A_65 : f32 to vector<1000x1xf32>
    %div3A_67 = arith.divf %broadcast_in_dim3A_64, %div3A_66 : vector<1000x1xf32>
    %sub3A_68 = vector.broadcast %div3A_59 : vector<1000x1xf32> to vector<1000x128xf32>
    %sub3A_69 = arith.subf %max3A_55, %sub3A_68 : vector<1000x128xf32>
    %add3A_70 = arith.constant 9.99999974E-6 : f32
    %add3A_71 = vector.broadcast %add3A_70 : f32 to vector<1000x1xf32>
    %add3A_72 = arith.addf %div3A_67, %add3A_71 : vector<1000x1xf32>
    %sqrt3A = math.sqrt %add3A_72 : vector<1000x1xf32>
    %div3A_73 = vector.broadcast %sqrt3A : vector<1000x1xf32> to vector<1000x128xf32>
    %div3A_74 = arith.divf %sub3A_69, %div3A_73 : vector<1000x128xf32>
    %get3A_75 = arith.constant 0 : index
    %get3A_76 = arith.constant 0 : index
    %get3A_77 = vector.load %arg7[%get3A_75, %get3A_76] : memref<1x128xf32, #tpu.memory_space<vmem>>, vector<1x128xf32>
    %mul3A = vector.broadcast %get3A_77 : vector<1x128xf32> to vector<1000x128xf32>
    %mul3A_78 = arith.mulf %div3A_74, %mul3A : vector<1000x128xf32>
    %get3A_79 = arith.constant 0 : index
    %get3A_80 = arith.constant 0 : index
    %get3A_81 = vector.load %arg8[%get3A_79, %get3A_80] : memref<1x128xf32, #tpu.memory_space<vmem>>, vector<1x128xf32>
    %add3A_82 = vector.broadcast %get3A_81 : vector<1x128xf32> to vector<1000x128xf32>
    %add3A_83 = arith.addf %mul3A_78, %add3A_82 : vector<1000x128xf32>
    %swap3A = arith.constant 0 : index
    %swap3A_84 = arith.constant 0 : index
    %swap3A_85 = vector.load %arg9[%swap3A, %swap3A_84] : memref<1000x128xf32, #tpu.memory_space<vmem>>, vector<1000x128xf32>
    tpu.vector_store %arg9[%swap3A, %swap3A_84], %add3A_83 {strides = array<i32>} : memref<1000x128xf32, #tpu.memory_space<vmem>>, vector<1000x128xf32>,
    return
  }
  func.func @transform_0(%arg0: i32) -> (i32, i32) {
    %c0_i32 = arith.constant 0 : i32
    %c0_i32_0 = arith.constant 0 : i32
    return %arg0, %c0_i32 : i32, i32
  }
  func.func @transform_1(%arg0: i32) -> (i32, i32) {
    %c0_i32 = arith.constant 0 : i32
    %c0_i32_0 = arith.constant 0 : i32
    return %arg0, %c0_i32 : i32, i32
  }
  func.func @transform_2(%arg0: i32) -> (i32, i32) {
    %c0_i32 = arith.constant 0 : i32
    %c0_i32_0 = arith.constant 0 : i32
    return %arg0, %c0_i32 : i32, i32
  }
  func.func @transform_3(%arg0: i32) -> (i32, i32) {
    %c0_i32 = arith.constant 0 : i32
    %c0_i32_0 = arith.constant 0 : i32
    %c0_i32_1 = arith.constant 0 : i32
    return %c0_i32, %c0_i32_0 : i32, i32
  }
  func.func @transform_4(%arg0: i32) -> (i32, i32) {
    %c0_i32 = arith.constant 0 : i32
    %c0_i32_0 = arith.constant 0 : i32
    %c0_i32_1 = arith.constant 0 : i32
    return %c0_i32, %c0_i32_0 : i32, i32
  }
  func.func @transform_5(%arg0: i32) -> (i32, i32) {
    %c0_i32 = arith.constant 0 : i32
    %c0_i32_0 = arith.constant 0 : i32
    %c0_i32_1 = arith.constant 0 : i32
    return %c0_i32, %c0_i32_0 : i32, i32
  }
  func.func @transform_6(%arg0: i32) -> (i32, i32) {
    %c0_i32 = arith.constant 0 : i32
    %c0_i32_0 = arith.constant 0 : i32
    %c0_i32_1 = arith.constant 0 : i32
    return %c0_i32, %c0_i32_0 : i32, i32
  }
  func.func @transform_7(%arg0: i32) -> (i32, i32) {
    %c0_i32 = arith.constant 0 : i32
    %c0_i32_0 = arith.constant 0 : i32
    %c0_i32_1 = arith.constant 0 : i32
    return %c0_i32, %c0_i32_0 : i32, i32
  }
  func.func @transform_8(%arg0: i32) -> (i32, i32) {
    %c0_i32 = arith.constant 0 : i32
    %c0_i32_0 = arith.constant 0 : i32
    return %arg0, %c0_i32 : i32, i32
  }
}

</mosaic_0001>

<sc_bundles>
// kernel: kernel.10.cloned.1.call-start
scs
__scs_entry_jumppad:
0x0: {  	(pc) =	sbr.rel $0x88, $3  }
0x1: {  	(tag) =	ssettag $0x0;
	lr =	simm.s32 $0x1  }
0x2: {  	[smem:$0x3F92] =	sst lr;
	_ =	strace $0xD0000000  }
0x3: {  	_ = 	snop  }
0x4: {  	_ = 	snop  }
0x5: {  	_ = 	snop  }
0x6: {  	_ = 	snop  }
0x7: {  	_ = 	snop  }
__scs_overlays_trampoline_lowered:
0x8: {  	[smem:$0x3FA1] =	sst s0  }
0x9: {  	[smem:$0x3FA2] =	sst s1  }
0xa: {  	[smem:$0x3FA3] =	sst s2  }
0xb: {  	[smem:$0x3FA4] =	sst s3  }
0xc: {  	[smem:$0x3FA5] =	sst s4  }
0xd: {  	[smem:$0x3FA6] =	sst s5  }
0xe: {  	[smem:$0x3FA7] =	sst s6  }
0xf: {  	[smem:$0x3FA8] =	sst s7  }
0x10: {  	[smem:$0x3FA9] =	sst s8  }
0x11: {  	[smem:$0x3FAA] =	sst s9;
	s0 =	simm.s32 @!p0 $0x0  }
0x12: {  	s1 =	sld [smem:$0x3F90];
	s0 =	simm.s32 @p0 $0x1  }
0x13: {  	[smem:$0x3FAB] =	sst s0;
	s0 =	simm.s32 @!p1 $0x0  }
0x14: {  	s2 =	sld [smem:$0x3F8F];
	s0 =	simm.s32 @p1 $0x1  }
0x15: {  	[smem:$0x3FAC] =	sst s0;
	s0 =	simm.s32 @!p2 $0x0  }
0x16: {  	s3 =	sld [smem:$0x3FDB];
	s0 =	simm.s32 @p2 $0x1  }
0x17: {  	s4 =	simm.s32 $0x1BF5;
	[smem:$0x3FAE] =	sst s0  }
0x18: {  	s0 =	sld [smem:$0x3F91];
	_ =	swait.ge [sflag:s4], $0x0  }
0x19: {  	s7 =	sld [smem:$0x3F92]  }
0x1a: {  	s8 =	sadd.s32 $0xFFFFE003, lr  }
0x1b: {  	s9 =	sadd.s32 $0xFFFFFEF7, lr;
	s5 =	simm.s32 $0xFFFFFFFF;
	p2 =	slt.u32 s8, $0xFFFFF086  }
0x1c: {  	p1 =	slt.u32 s9, $0xF7A;
	s5 =	simm.s32 @!p2 $0x0  }
0x1d: {  	s5 =	simm.s32 @p1 $0x1;
	p0 =	seq.s32 s7, s2  }
0x1e: {  	s7 =	smul.u32 @!p0 $0xF7A, s2;
	p2 =	seq.s32 @!p0 s5, $0x0  }
0x1f: {  	s9 =	smul.u32 $0xF7A, s1;
	s8 =	simm.s32 @!p0 $0x1BF5;
	p2 =	por !p2, p0  }
0x20: {  	[sflag:s8] =	ssyncset.s32 @!p0 $0xFFFFF086;
	s6 =	sadd.s32 @!p0 s3, s7;
	s7 =	simm.s32 @!p0 $0x108  }
0x21: {  	s3 =	sadd.s32 s3, s9;
	s6 =	sadd.s32 @!p0 $0x88, s6;
	s7 =	simm.s32 @p2 $0x1082  }
0x22: {  	[simem:s7], [sflag:s8] =	dma.local @!p0 [hbm:s6], $0xF7A  }
0x23: {  	s9 =	sor.u32 $0xD0000000, s2;
	s6 =	simm.s32 $0x108;
	_ =	swait.ge @!p0 [sflag:s8], $0x0  }
0x24: {  	s3 =	sadd.s32 $0x88, s3;
	s6 =	simm.s32 @!p1 $0x1082;
	[sflag:s4] =	ssyncset.s32 $0xFFFFF086  }
0x25: {  	[simem:s6], [sflag:s4] =	dma.local [hbm:s3], $0xF7A  }
0x26: {  	[smem:$0x3F92] =	sst s1;
	(tag) =	ssettag s2;
	_ =	strace s9  }
0x27: {  	s1 =	sld [smem:$0x3FA2]  }
0x28: {  	s2 =	sld [smem:$0x3FA3]  }
0x29: {  	s4 =	sld [smem:$0x3FA5]  }
0x2a: {  	p0 =	seq.s32 s5, $0x0;
	s5 =	sld [smem:$0x3FA6]  }
0x2b: {  	s6 =	sld [smem:$0x3FA7]  }
0x2c: {  	s7 =	sld [smem:$0x3FA8]  }
0x2d: {  	s3 =	simm.s32 $0x108;
	s8 =	sld [smem:$0x3FA9]  }
0x2e: {  	s3 =	simm.s32 @!p0 $0x1082;
	s9 =	sld [smem:$0x3FAA]  }
0x2f: {  	lr =	sadd.s32 s0, s3;
	s0 =	sld [smem:$0x3FA1]  }
0x30: {  	s3 =	sld [smem:$0x3FA4]  }
0x31: {  	[smem:$0x3FAD] =	sst s10  }
0x32: {  	s10 =	sld [smem:$0x3FAB];
	_ =	sdelay $0x3  }
0x33: {  	p0 =	seq.s32 s10, $0x1;
	s10 =	sld [smem:$0x3FAD];
	_ =	sdelay $0x3  }
0x34: {  	[smem:$0x3FAD] =	sst s10  }
0x35: {  	s10 =	sld [smem:$0x3FAC];
	_ =	sdelay $0x3  }
0x36: {  	p1 =	seq.s32 s10, $0x1;
	s10 =	sld [smem:$0x3FAD];
	_ =	sdelay $0x3  }
0x37: {  	[smem:$0x3FAD] =	sst s10  }
0x38: {  	s10 =	sld [smem:$0x3FAE]  }
0x39: {  	_ = 	snop;
	(pc) =	sbr.ind lr, $3  }
0x3a: {  	_ = 	snop  }
0x3b: {  	_ = 	snop  }
0x3c: {  	p2 =	seq.s32 s10, $0x1;
	s10 =	sld [smem:$0x3FAD]  }
0x3d: {  	_ =	shalt  }
0x3e: {  	_ =	shalt  }
0x3f: {  	_ =	shalt  }
0x40: {  	_ =	shalt  }
0x41: {  	_ =	shalt  }
0x42: {  	_ =	shalt  }
0x43: {  	_ =	shalt  }
0x44: {  	_ =	shalt  }
0x45: {  	_ =	shalt  }
0x46: {  	_ =	shalt  }
0x47: {  	_ =	shalt  }
0x48: {  	_ =	shalt  }
0x49: {  	_ =	shalt  }
0x4a: {  	_ =	shalt  }
0x4b: {  	_ =	shalt  }
0x4c: {  	_ =	shalt  }
0x4d: {  	_ =	shalt  }
0x4e: {  	_ =	shalt  }
0x4f: {  	_ =	shalt  }
0x50: {  	_ =	shalt  }
0x51: {  	_ =	shalt  }
0x52: {  	_ =	shalt  }
0x53: {  	_ =	shalt  }
0x54: {  	_ =	shalt  }
0x55: {  	_ =	shalt  }
0x56: {  	_ =	shalt  }
0x57: {  	_ =	shalt  }
0x58: {  	_ =	shalt  }
0x59: {  	_ =	shalt  }
0x5a: {  	_ =	shalt  }
0x5b: {  	_ =	shalt  }
0x5c: {  	_ =	shalt  }
0x5d: {  	_ =	shalt  }
0x5e: {  	_ =	shalt  }
0x5f: {  	_ =	shalt  }
0x60: {  	_ =	shalt  }
0x61: {  	_ =	shalt  }
0x62: {  	_ =	shalt  }
0x63: {  	_ =	shalt  }
0x64: {  	_ =	shalt  }
0x65: {  	_ =	shalt  }
0x66: {  	_ =	shalt  }
0x67: {  	_ =	shalt  }
0x68: {  	_ =	shalt  }
0x69: {  	_ =	shalt  }
0x6a: {  	_ =	shalt  }
0x6b: {  	_ =	shalt  }
0x6c: {  	_ =	shalt  }
0x6d: {  	_ =	shalt  }
0x6e: {  	_ =	shalt  }
0x6f: {  	_ =	shalt  }
0x70: {  	_ =	shalt  }
0x71: {  	_ =	shalt  }
0x72: {  	_ =	shalt  }
0x73: {  	_ =	shalt  }
0x74: {  	_ =	shalt  }
0x75: {  	_ =	shalt  }
0x76: {  	_ =	shalt  }
0x77: {  	_ =	shalt  }
0x78: {  	_ =	shalt  }
0x79: {  	_ =	shalt  }
0x7a: {  	_ =	shalt  }
0x7b: {  	_ =	shalt  }
0x7c: {  	_ =	shalt  }
0x7d: {  	_ =	shalt  }
0x7e: {  	_ =	shalt  }
0x7f: {  	_ =	shalt  }
0x80: {  	_ =	shalt  }
0x81: {  	_ =	shalt  }
0x82: {  	_ =	shalt  }
0x83: {  	_ =	shalt  }
0x84: {  	_ =	shalt  }
0x85: {  	_ =	shalt  }
0x86: {  	_ =	shalt  }
0x87: {  	_ =	shalt  }
.Lfunc_end0:
.L_simem_size_0:
called_computation.1_lowered:
.L_overlay_start_0:
0x88: {  	s2 =	sld [smem:$0x3FD9]  }
0x89: {  	s3 =	sld [smem:$0x3FFE];
	_ =	sdelay $0x1  }
0x8a: {  	s1 =	srdreg.scid  }
0x8b: {  	s0 =	sand.u32 $0x1, s1  }
0x8c: {  	s17 =	sshll.u32 s0, $0xA;
	s2 =	sadd.s32 s3, s2  }
0x8d: {  	s2 =	sadd.s32 s2, s17  }
0x8e: {  	[smem:$0x3FB9] =	sst s2  }
0x8f: {  	_ = 	snop  }
0x90: {  	s2 =	sld [smem:$0x3FC5]  }
0x91: {  	s18 =	sld [smem:$0x3FD0];
	(tm) =	ssettm $0x1  }
0x92: {  	s4 =	sld [smem:$0x3FFB];
	_ =	sdelay $0x3  }
0x93: {  	_ =	strace s4  }
0x94: {  	s4 =	sld [smem:$0x3FFC];
	_ =	sdelay $0x3  }
0x95: {  	_ =	strace s4  }
0x96: {  	s4 =	sld [smem:$0x3FFD];
	_ =	sdelay $0x3  }
0x97: {  	_ =	strace s4  }
0x98: {  	_ =	strace $0x8FFFFFFF  }
0x99: {  	s19 =	sld [smem:$0x3FDB];
	_ =	sdelay $0x1  }
0x9a: {  	s5 =	simm.s32 $_scs_section_size  }
0x9b: {  	s6 =	simm.s32 $_size__tile_overlayer_lowered;
	s7 =	simm.s32 $_tile_overlayer_lowered  }
0x9c: {  	s22 =	simm.s32 $0x1BFF;
	s21 =	sshll.u32 s7, $0x1;
	s4 =	sadd.s32 s5, s19  }
0x9d: {  	s8 =	simm.s32 $0x0;
	s20 =	sshll.u32 s6, $0x1;
	s6 =	sadd.s32 s21, s4  }
0x9e: {  	[timem:s8], [sflag:s22] =	dma.local [hbm:s6], s20  }
0x9f: {  	_ =	swait.ge [sflag:s22], s20  }
0xa0: {  	s5 =	ssub.s32 $0x0, s20;
	[sflag:s22] =	ssyncset.done $0x0  }
0xa1: {  	[sflag:s22] =	ssyncadd.s32 s5;
	_ =	sdelay $0x1  }
0xa2: {  	s23 =	simm.s32 $0x1B8B  }
0xa3: {  	_ =	swait.ge [sflag:s23], $0x1  }
0xa4: {  	[sflag:s23] =	ssyncset.done $0x0  }
0xa5: {  	s25 =	simm.s32 $0x1B8E;
	s24 =	sld [smem:$0x3FFE];
	[sflag:s23] =	ssyncadd.s32 $0xFFFFFFFF  }
0xa6: {  	s26 =	simm.s32 $execute0_lowered;
	[smem:$0x3FD2] =	sst s25  }
0xa7: {  	s6 =	sshll.u32 s26, $0x1;
	_ =	strace $0x80000049;
	[dreg:$0x1] =	wrdreg $0xFFFFFFFF  }
0xa8: {  	s28 =	simm.s32 $_size_execute0_lowered;
	s4 =	sadd.s32 s4, s6;
	[dreg:$0x0] =	wrdreg $0x0  }
0xa9: {  	s6 =	sshll.u32 s28, $0x1;
	[dreg:$0x2] =	wrdreg s4  }
0xaa: {  	[dreg:$0x3] =	wrdreg s6  }
0xab: {  	[dreg:$0x4] =	wrdreg $0xC0  }
0xac: {  	_ =	task [dreg:s8], $0x5FFFF  }
0xad: {  	[dreg:$0x1] =	wrdreg $0xFFFFFFFF  }
0xae: {  	[dreg:$0x0] =	wrdreg $0x60  }
0xaf: {  	[dreg:$0x2] =	wrdreg s24  }
0xb0: {  	[dreg:$0x3] =	wrdreg s2  }
0xb1: {  	[dreg:$0x4] =	wrdreg s18  }
0xb2: {  	[dreg:$0x5] =	wrdreg $0x0  }
0xb3: {  	[dreg:$0x6] =	wrdreg $0x9  }
0xb4: {  	_ =	task.clear_ibuf [dreg:s8], $0x7FFFF;
	_ =	strace $0x90000049  }
0xb5: {  	s29 =	simm.s32 $0x9;
	_ =	strace $0x8000004B  }
0xb6: {  	_ =	swait.ge [sflag:s29], $0x1  }
0xb7: {  	[sflag:s29] =	ssyncadd.s32 $0xFFFFFFFF  }
0xb8: {  	_ =	strace $0x9000004B  }
0xb9: {  	_ =	sfence  }
0xba: {  	s30 =	sld [smem:$0x0];
	_ =	sdelay $0x2  }
0xbb: {  	s31 =	sshll.u32 s1, $0xD;
	s1 =	sshrl.u32 s1, $0x2  }
0xbc: {  	s3 =	sand.u32 $0x4000, s31;
	s1 =	sadd.s32 s1, s30  }
0xbd: {  	s0 =	sor.u32 s3, s0;
	s1 =	sshll.u32 s1, $0x11  }
0xbe: {  	s0 =	sor.u32 s1, s0  }
0xbf: {  	s0 =	sadd.s32 $0x8F2B, s0  }
0xc0: {  	[sflag:s0] =	ssyncadd.remote.s32 $0x1  }
0xc1: {  	_ =	sfence.sel $0xFFFF  }
0xc2: {  	[dreg:$0x0] =	wrdreg $0xFFFFFFFF;
	(pc) =	sbr.abs _section_cstart, $3  }
0xc3: {  	[dreg:$0x1] =	wrdreg $0xFFFFFFFF  }
0xc4: {  	_ =	task.clear_ibuf [dreg:s8], $0x2FFFF;
	_ =	strace $0x9FFFFFFF  }
0xc5: {  	(tm) =	ssettm $0x7FFFFFFF  }
tec
execute0_lowered:
.L_overlay_start_1:
0x0: {  	(tag) =	ssettag $0x1  }
0x1: {  	s0 =	rddreg [dreg:$0x0];
	s1 =	srdreg.scid  }
0x2: {  	s3 =	rddreg [dreg:$0x1];
	s21 =	stileid.u32  }
0x3: {  	s31 =	simm.s32 $0x14000;
	s1 =	sand.u32 $0x1, s1;
	s4 =	sadd.s32 $0xEA9A00, s0  }
0x4: {  	s5 =	smul.u32 $0x280, s21;
	s6 =	sadd.s32 $0x138BA00, s0;
	s7 =	sadd.s32 $0x3A00, s0  }
0x5: {  	s10 =	sadd.s32 $0x2BA00, s0;
	s9 =	sor.u32 $0x10, s21;
	s12 =	sshll.u32 s21, $0xB  }
0x6: {  	s15 =	smul.u32 $0x2800, s21;
	s20 =	sor.u32 $0x9C0, s21;
	s2 =	ssub.s32 $0x2, s1  }
0x7: {  	p0 =	seq.s32 s1, $0x0;
	s13 =	sshll.u32 s9, $0x4;
	s29 =	sadd.s32 s6, s12  }
0x8: {  	s9 =	sshll.u32 s9, $0xB;
	s23 =	sshll.u32 s20, $0xB;
	p2 =	sgt.u32 s20, $0x9C3  }
0x9: {  	p3 =	slt.u32 s20, $0x9C4;
	s8 =	sshrl.u32 s2, $0x1;
	s11 =	sadd.s32 $0x100, s5  }
0xa: {  	s18 =	sadd.s32 $0x180, s5;
	s13 =	sand.u32 $0x180, s13;
	s26 =	sadd.s32 s6, s9  }
0xb: {  	s30 =	sadd.s32 s10, s15;
	s9 =	sadd.s32 s4, s9;
	s16 =	sadd.s32 s7, s15  }
0xc: {  	s6 =	sadd.s32 s6, s23;
	s10 =	smov.u32 @p0 s7;
	[dreg:$0x8] =	wrdreg s26  }
0xd: {  	p0 =	sne.s32 s1, $0x0;
	s0 =	ssub.s32 s2, s8;
	[dreg:$0x9] =	wrdreg s30  }
0xe: {  	s8 =	sadd.s32 $0x80, s5;
	s2 =	sadd.s32 $0x200, s5;
	[dreg:$0xb] =	wrdreg s9  }
0xf: {  	s5 =	sshll.u32 s21, $0x4;
	s30 =	sadd.s32 s4, s12;
	[dreg:$0xc] =	wrdreg s16  }
0x10: {  	[dreg:$0xe] =	wrdreg s6;
	s4 =	sadd.s32 s4, s23;
	s26 =	sshll.u32 s18, $0x4  }
0x11: {  	s12 =	smul.u32 $0x50000, s21;
	s17 =	sand.u32 $0x70, s5;
	s14 =	sadd.s32 s3, s5  }
0x12: {  	s22 =	sshll.u32 s8, $0x4;
	[dreg:$0xf] =	wrdreg s4;
	s24 =	sor.u32 $0x300, s5  }
0x13: {  	s5 =	sor.u32 $0x200, s5;
	s23 =	sshll.u32 s8, $0x7;
	s28 =	smax.u32 s0, $0x1  }
0x14: {  	s0 =	simm.s32 $0x1C000;
	s8 =	simm.s32 $0x80;
	[dreg:$0x5] =	wrdreg s14  }
0x15: {  	s25 =	sadd.s32 s3, s17;
	s4 =	sand.u32 $0x380, s24;
	s5 =	sand.u32 $0x280, s5  }
0x16: {  	s7 =	sadd.s32 s10, s22;
	s14 =	sadd.s32 s10, s26;
	s22 =	sor.u32 $0x9A0, s21  }
0x17: {  	s21 =	rddreg [dreg:$0x3];
	s1 =	sshrl.u32 s12, $0x2;
	s24 =	sshll.u32 s11, $0x7  }
0x18: {  	s26 =	sshll.u32 s2, $0x7;
	s13 =	sadd.s32 s13, s25;
	s4 =	sadd.s32 s4, s3  }
0x19: {  	s3 =	sadd.s32 s5, s3;
	[dreg:$0x10] =	wrdreg s7;
	p1 =	sgt.u32 s22, $0x9A3  }
0x1a: {  	s22 =	sadd.s32 s1, s21;
	s23 =	sadd.s32 s23, s21;
	s24 =	sadd.s32 s24, s21  }
0x1b: {  	s26 =	sadd.s32 s26, s21;
	s7 =	simm.s32 $0x18000;
	s5 =	simm.s32 $0x1  }
0x1c: {  	[dreg:$0x7] =	wrdreg s13;
	s13 =	sshll.u32 s20, $0x4;
	s16 =	sadd.s32 s17, s4  }
0x1d: {  	s17 =	sadd.s32 s17, s3;
	s3 =	sadd.s32 $0x18000, s30;
	s19 =	sand.u32 $0x9C80, s13  }
0x1e: {  	s20 =	simm.s32 $0x5;
	s4 =	simm.s32 $0x1C080;
	s9 =	sadd.s32 s19, s25  }
0x1f: {  	s25 =	sshll.u32 s11, $0x4;
	s19 =	simm.s32 $0x0;
	s11 =	simm.s32 $0x3  }
.Ltmp0:
0x20: {  	[dreg:$0xd] =	wrdreg s9;
	s13 =	sadd.s32 s10, s25;
	(pc) =	sbr.rel .LBB2_1-.Ltmp0, $4  }
0x21: {  	s9 =	sshll.u32 s2, $0x4;
	[smem:$0x7FF] =	sst s19;
	s25 =	sshll.u32 s18, $0x7  }
0x22: {  	s18 =	simm.s32 $0x4;
	s2 =	simm.s32 $0x0;
	s15 =	sadd.s32 s10, s9  }
0x23: {  	_ =	strace $0x8000004A;
	s25 =	sadd.s32 s25, s21;
	[dreg:$0x6] =	wrdreg s29  }
0x24: {  	s29 =	sadd.s32 $0x18000, s29;
	[dreg:$0xa] =	wrdreg s30;
	s10 =	simm.s32 $0x2  }
.LBB2_8:
0x25: {  	_ =	swait.ge [sflag:s5], $0x80  }
0x26: {  	[sflag:s5] =	ssyncset.done $0x0  }
0x27: {  	[sflag:s5] =	ssyncadd.s32 $0xFFFFFF80  }
0x28: {  	_ =	swait.ge [sflag:s5], $0x4000  }
0x29: {  	[sflag:s5] =	ssyncset.done $0x0  }
0x2a: {  	[sflag:s5] =	ssyncadd.s32 $0xFFFFC000  }
0x2b: {  	[spmem:s21] =	stream.indirect.scatter.add.f32 [tilespmem:s31], [sflag:$0x3], $0x80, s0, s8, $0xb8;
	[tilespmem:$0x1C100] =	vst v63  }
0x2c: {  	_ =	swait.ge [sflag:s11], $0x4000  }
0x2d: {  	[sflag:s11] =	ssyncset.done $0x0  }
0x2e: {  	[sflag:s11] =	ssyncadd.s32 $0xFFFFC000  }
.LBB2_9:
0x2f: {  	[bflag:$0x0] =	sbarrier.arrive $0xFFFF  }
0x30: {  	[tilespmem:s31], [sflag:$0x5] =	stream.linear.gather [spmem:s22], $0x4000, $0x38;
	[tilespmem:$0x1C100] =	vst v63  }
0x31: {  	_ =	swait.ge [sflag:s20], $0x4000  }
0x32: {  	[sflag:s20] =	ssyncset.done $0x0  }
0x33: {  	[sflag:s20] =	ssyncadd.s32 $0xFFFFC000  }
0x34: {  	[hbm4b:s1+s19] =	stream.linear.scatter [tilespmem:s31], [sflag:$0x5], $0x4000, $0x38;
	[tilespmem:$0x1C100] =	vst v63  }
0x35: {  	_ =	swait.ge [sflag:s20], $0x4000  }
0x36: {  	[sflag:s20] =	ssyncset.done $0x0  }
0x37: {  	[sflag:s20] =	ssyncadd.s32 $0xFFFFC000  }
0x38: {  	[tilespmem:s31], [sflag:$0x5] =	stream.linear.gather [spmem:s23], $0x4000, $0x38;
	[tilespmem:$0x1C100] =	vst v63  }
0x39: {  	_ =	swait.ge [sflag:s20], $0x4000  }
0x3a: {  	[sflag:s20] =	ssyncset.done $0x0  }
0x3b: {  	s30 =	rddreg [dreg:$0x10];
	[sflag:s20] =	ssyncadd.s32 $0xFFFFC000  }
0x3c: {  	[hbm4b:s30+s19] =	stream.linear.scatter [tilespmem:s31], [sflag:$0x5], $0x4000, $0x38;
	[tilespmem:$0x1C100] =	vst v63  }
0x3d: {  	_ =	swait.ge [sflag:s20], $0x4000  }
0x3e: {  	[sflag:s20] =	ssyncset.done $0x0  }
0x3f: {  	[sflag:s20] =	ssyncadd.s32 $0xFFFFC000  }
0x40: {  	[tilespmem:s31], [sflag:$0x5] =	stream.linear.gather [spmem:s24], $0x4000, $0x38;
	[tilespmem:$0x1C100] =	vst v63  }
0x41: {  	_ =	swait.ge [sflag:s20], $0x4000  }
0x42: {  	[sflag:s20] =	ssyncset.done $0x0  }
0x43: {  	[sflag:s20] =	ssyncadd.s32 $0xFFFFC000  }
0x44: {  	[hbm4b:s13+s19] =	stream.linear.scatter [tilespmem:s31], [sflag:$0x5], $0x4000, $0x38;
	[tilespmem:$0x1C100] =	vst v63  }
0x45: {  	_ =	swait.ge [sflag:s20], $0x4000  }
0x46: {  	[sflag:s20] =	ssyncset.done $0x0  }
0x47: {  	[sflag:s20] =	ssyncadd.s32 $0xFFFFC000  }
0x48: {  	[tilespmem:s31], [sflag:$0x5] =	stream.linear.gather [spmem:s25], $0x4000, $0x38;
	[tilespmem:$0x1C100] =	vst v63  }
0x49: {  	_ =	swait.ge [sflag:s20], $0x4000  }
0x4a: {  	[sflag:s20] =	ssyncset.done $0x0  }
0x4b: {  	[sflag:s20] =	ssyncadd.s32 $0xFFFFC000  }
0x4c: {  	[hbm4b:s14+s19] =	stream.linear.scatter [tilespmem:s31], [sflag:$0x5], $0x4000, $0x38;
	[tilespmem:$0x1C100] =	vst v63  }
0x4d: {  	_ =	swait.ge [sflag:s20], $0x4000  }
0x4e: {  	[sflag:s20] =	ssyncset.done $0x0  }
0x4f: {  	[sflag:s20] =	ssyncadd.s32 $0xFFFFC000  }
0x50: {  	[tilespmem:s31], [sflag:$0x5] =	stream.linear.gather [spmem:s26], $0x4000, $0x38;
	[tilespmem:$0x1C100] =	vst v63  }
0x51: {  	s2 =	sadd.s32 $0x1, s2;
	_ =	swait.ge [sflag:s20], $0x4000  }
0x52: {  	p4 =	sne.s32 s2, s28;
	[sflag:s20] =	ssyncset.done $0x0  }
.Ltmp1:
0x53: {  	[sflag:s20] =	ssyncadd.s32 $0xFFFFC000;
	(pc) =	sbr.rel @!p4 .LBB2_10-.Ltmp1, $4  }
0x54: {  	[hbm4b:s15+s19] =	stream.linear.scatter [tilespmem:s31], [sflag:$0x5], $0x4000, $0x38;
	[tilespmem:$0x1C100] =	vst v63  }
0x55: {  	_ =	swait.ge [sflag:s20], $0x4000  }
0x56: {  	[sflag:s20] =	ssyncset.done $0x0  }
0x57: {  	[sflag:s20] =	ssyncadd.s32 $0xFFFFC000  }
.LBB2_1:
0x58: {  	s1 =	rddreg [dreg:$0x2]  }
0x59: {  	[tilespmem:s31], [sflag:$0x5] =	stream.linear.gather [hbm4b:s1+s19], $0x4000, $0x38;
	[tilespmem:$0x1C100] =	vst v63  }
0x5a: {  	_ =	swait.ge [sflag:s20], $0x4000  }
0x5b: {  	[sflag:s20] =	ssyncset.done $0x0  }
0x5c: {  	[sflag:s20] =	ssyncadd.s32 $0xFFFFC000  }
0x5d: {  	[spmem:s22] =	stream.linear.scatter [tilespmem:s31], [sflag:$0x5], $0x4000, $0x38;
	[tilespmem:$0x1C100] =	vst v63  }
0x5e: {  	_ =	swait.ge [sflag:s20], $0x4000  }
0x5f: {  	[sflag:s20] =	ssyncset.done $0x0  }
0x60: {  	[sflag:s20] =	ssyncadd.s32 $0xFFFFC000  }
0x61: {  	[spmem:s23] =	stream.linear.scatter [tilespmem:s31], [sflag:$0x5], $0x4000, $0x38;
	[tilespmem:$0x1C100] =	vst v63  }
0x62: {  	_ =	swait.ge [sflag:s20], $0x4000  }
0x63: {  	[sflag:s20] =	ssyncset.done $0x0  }
0x64: {  	[sflag:s20] =	ssyncadd.s32 $0xFFFFC000  }
0x65: {  	[spmem:s24] =	stream.linear.scatter [tilespmem:s31], [sflag:$0x5], $0x4000, $0x38;
	[tilespmem:$0x1C100] =	vst v63  }
0x66: {  	_ =	swait.ge [sflag:s20], $0x4000  }
0x67: {  	[sflag:s20] =	ssyncset.done $0x0  }
0x68: {  	[sflag:s20] =	ssyncadd.s32 $0xFFFFC000  }
0x69: {  	[spmem:s25] =	stream.linear.scatter [tilespmem:s31], [sflag:$0x5], $0x4000, $0x38;
	[tilespmem:$0x1C100] =	vst v63  }
0x6a: {  	_ =	swait.ge [sflag:s20], $0x4000  }
0x6b: {  	[sflag:s20] =	ssyncset.done $0x0  }
0x6c: {  	[sflag:s20] =	ssyncadd.s32 $0xFFFFC000  }
0x6d: {  	[spmem:s26] =	stream.linear.scatter [tilespmem:s31], [sflag:$0x5], $0x4000, $0x38;
	[tilespmem:$0x1C100] =	vst v63  }
0x6e: {  	_ =	swait.ge [sflag:s20], $0x4000  }
.Ltmp2:
0x6f: {  	[sflag:s20] =	ssyncset.done $0x0;
	(pc) =	sbr.rel @p0 .LBB2_5-.Ltmp2, $4  }
0x70: {  	[sflag:s20] =	ssyncadd.s32 $0xFFFFC000  }
0x71: {  	[bflag:$0x0] =	sbarrier.arrive $0xFFFF  }
0x72: {  	s1 =	simm.s32 $0x0;
	s30 =	rddreg [dreg:$0x5]  }
0x73: {  	[tilespmem:s0], [sflag:$0x1] =	stream.linear.gather [hbm4b:s30+s19], $0x80, $0x38;
	[tilespmem:$0x1C100] =	vst v63  }
0x74: {  	s6 =	rddreg [dreg:$0xa]  }
0x75: {  	[tilespmem:s31], [sflag:$0x1] =	stream.linear.gather [hbm4b:s6+s1], $0x4000, $0x38;
	[tilespmem:$0x1C100] =	vst v63  }
0x76: {  	s9 =	rddreg [dreg:$0x7]  }
0x77: {  	[tilespmem:s4], [sflag:$0x2] =	stream.linear.gather [hbm4b:s9+s1], $0x80, $0x38;
	[tilespmem:$0x1C100] =	vst v63  }
0x78: {  	s12 =	rddreg [dreg:$0xb]  }
0x79: {  	[tilespmem:s7], [sflag:$0x2] =	stream.linear.gather [hbm4b:s12+s1], $0x4000, $0x38;
	[tilespmem:$0x1C100] =	vst v63  }
0x7a: {  	_ =	swait.ge [sflag:s5], $0x80  }
0x7b: {  	[sflag:s5] =	ssyncset.done $0x0  }
0x7c: {  	[sflag:s5] =	ssyncadd.s32 $0xFFFFFF80  }
0x7d: {  	_ =	swait.ge [sflag:s5], $0x4000  }
0x7e: {  	[sflag:s5] =	ssyncset.done $0x0  }
0x7f: {  	[sflag:s5] =	ssyncadd.s32 $0xFFFFC000  }
0x80: {  	[spmem:s21] =	stream.indirect.scatter.add.f32 [tilespmem:s31], [sflag:$0x3], $0x80, s0, s8, $0xb8;
	[tilespmem:$0x1C100] =	vst v63  }
0x81: {  	_ =	swait.ge [sflag:s10], $0x80  }
0x82: {  	[sflag:s10] =	ssyncset.done $0x0  }
0x83: {  	[sflag:s10] =	ssyncadd.s32 $0xFFFFFF80  }
0x84: {  	_ =	swait.ge [sflag:s10], $0x4000  }
0x85: {  	[sflag:s10] =	ssyncset.done $0x0  }
0x86: {  	[sflag:s10] =	ssyncadd.s32 $0xFFFFC000  }
0x87: {  	[spmem:s21] =	stream.indirect.scatter.add.f32 [tilespmem:s7], [sflag:$0x4], $0x80, s4, s8, $0xb8;
	[tilespmem:$0x1C100] =	vst v63  }
0x88: {  	_ =	swait.ge [sflag:s11], $0x4000  }
0x89: {  	[sflag:s11] =	ssyncset.done $0x0  }
0x8a: {  	s6 =	sadd.s32 $0x0, s17;
	[sflag:s11] =	ssyncadd.s32 $0xFFFFC000  }
0x8b: {  	[tilespmem:s0], [sflag:$0x1] =	stream.linear.gather [hbm4b:s6+s19], $0x80, $0x38;
	[tilespmem:$0x1C100] =	vst v63  }
0x8c: {  	s9 =	sadd.s32 $0xFFFF8000, s3  }
0x8d: {  	[tilespmem:s31], [sflag:$0x1] =	stream.linear.gather [hbm4b:s9+s19], $0x4000, $0x38;
	[tilespmem:$0x1C100] =	vst v63  }
0x8e: {  	_ =	swait.ge [sflag:s18], $0x4000  }
0x8f: {  	s30 =	smov.u32 s3;
	s12 =	sadd.s32 $0x0, s16;
	[sflag:s18] =	ssyncset.done $0x0  }
0x90: {  	s1 =	sadd.s32 $0x10000, s3;
	s6 =	simm.s32 $0x200;
	[sflag:s18] =	ssyncadd.s32 $0xFFFFC000  }
0x91: {  	[tilespmem:s4], [sflag:$0x2] =	stream.linear.gather [hbm4b:s12+s19], $0x80, $0x38;
	[tilespmem:$0x1C100] =	vst v63  }
.LBB2_3:
0x92: {  	[tilespmem:s7], [sflag:$0x2] =	stream.linear.gather [hbm4b:s30+s19], $0x4000, $0x38;
	[tilespmem:$0x1C100] =	vst v63  }
0x93: {  	s9 =	smov.u32 s6;
	s30 =	smov.u32 s1  }
0x94: {  	p4 =	seq.s32 s6, $0x9800;
	s6 =	sadd.s32 $0x200, s6;
	_ =	swait.ge [sflag:s5], $0x80  }
0x95: {  	[sflag:s5] =	ssyncset.done $0x0  }
0x96: {  	[sflag:s5] =	ssyncadd.s32 $0xFFFFFF80  }
0x97: {  	_ =	swait.ge [sflag:s5], $0x4000  }
0x98: {  	[sflag:s5] =	ssyncset.done $0x0  }
0x99: {  	[sflag:s5] =	ssyncadd.s32 $0xFFFFC000  }
0x9a: {  	[spmem:s21] =	stream.indirect.scatter.add.f32 [tilespmem:s31], [sflag:$0x3], $0x80, s0, s8, $0xb8;
	[tilespmem:$0x1C100] =	vst v63  }
0x9b: {  	_ =	swait.ge [sflag:s10], $0x80  }
0x9c: {  	[sflag:s10] =	ssyncset.done $0x0  }
0x9d: {  	[sflag:s10] =	ssyncadd.s32 $0xFFFFFF80  }
0x9e: {  	_ =	swait.ge [sflag:s10], $0x4000  }
0x9f: {  	[sflag:s10] =	ssyncset.done $0x0  }
0xa0: {  	[sflag:s10] =	ssyncadd.s32 $0xFFFFC000  }
0xa1: {  	[spmem:s21] =	stream.indirect.scatter.add.f32 [tilespmem:s7], [sflag:$0x4], $0x80, s4, s8, $0xb8;
	[tilespmem:$0x1C100] =	vst v63  }
0xa2: {  	_ =	swait.ge [sflag:s11], $0x4000  }
0xa3: {  	[sflag:s11] =	ssyncset.done $0x0  }
0xa4: {  	s12 =	sadd.s32 s9, s17;
	[sflag:s11] =	ssyncadd.s32 $0xFFFFC000  }
0xa5: {  	[tilespmem:s0], [sflag:$0x1] =	stream.linear.gather [hbm4b:s12+s19], $0x80, $0x38;
	[tilespmem:$0x1C100] =	vst v63  }
0xa6: {  	s12 =	sadd.s32 $0xFFFF8000, s1  }
0xa7: {  	[tilespmem:s31], [sflag:$0x1] =	stream.linear.gather [hbm4b:s12+s19], $0x4000, $0x38;
	[tilespmem:$0x1C100] =	vst v63  }
.Ltmp3:
0xa8: {  	_ =	swait.ge [sflag:s18], $0x4000;
	(pc) =	sbr.rel @!p4 .LBB2_3-.Ltmp3, $4  }
0xa9: {  	[sflag:s18] =	ssyncset.done $0x0  }
0xaa: {  	s9 =	sadd.s32 s9, s16;
	[sflag:s18] =	ssyncadd.s32 $0xFFFFC000  }
0xab: {  	[tilespmem:s4], [sflag:$0x2] =	stream.linear.gather [hbm4b:s9+s19], $0x80, $0x38;
	[tilespmem:$0x1C100] =	vst v63  }
0xac: {  	s1 =	sadd.s32 $0x10000, s1  }
0xad: {  	[tilespmem:s7], [sflag:$0x2] =	stream.linear.gather [hbm4b:s30+s19], $0x4000, $0x38;
	[tilespmem:$0x1C100] =	vst v63  }
0xae: {  	_ =	swait.ge [sflag:s5], $0x80  }
0xaf: {  	[sflag:s5] =	ssyncset.done $0x0  }
0xb0: {  	[sflag:s5] =	ssyncadd.s32 $0xFFFFFF80  }
0xb1: {  	_ =	swait.ge [sflag:s5], $0x4000  }
0xb2: {  	[sflag:s5] =	ssyncset.done $0x0  }
0xb3: {  	[sflag:s5] =	ssyncadd.s32 $0xFFFFC000  }
0xb4: {  	[spmem:s21] =	stream.indirect.scatter.add.f32 [tilespmem:s31], [sflag:$0x3], $0x80, s0, s8, $0xb8;
	[tilespmem:$0x1C100] =	vst v63  }
0xb5: {  	_ =	swait.ge [sflag:s10], $0x80  }
0xb6: {  	[sflag:s10] =	ssyncset.done $0x0  }
0xb7: {  	[sflag:s10] =	ssyncadd.s32 $0xFFFFFF80  }
0xb8: {  	_ =	swait.ge [sflag:s10], $0x4000  }
0xb9: {  	[sflag:s10] =	ssyncset.done $0x0  }
0xba: {  	[sflag:s10] =	ssyncadd.s32 $0xFFFFC000  }
0xbb: {  	[spmem:s21] =	stream.indirect.scatter.add.f32 [tilespmem:s7], [sflag:$0x4], $0x80, s4, s8, $0xb8;
	[tilespmem:$0x1C100] =	vst v63  }
0xbc: {  	_ =	swait.ge [sflag:s11], $0x4000  }
0xbd: {  	s1 =	simm.s32 @!p1 $0x0;
	[sflag:s11] =	ssyncset.done $0x0  }
0xbe: {  	s6 =	simm.s32 @!p1 $0x1C000;
	s9 =	rddreg [dreg:$0xd];
	[sflag:s11] =	ssyncadd.s32 $0xFFFFC000  }
0xbf: {  	[tilespmem:s6], [sflag:$0x1] =	stream.linear.gather @!p1 [hbm4b:s9+s1], $0x80, $0x38;
	[tilespmem:$0x1C100] =	vst v63  }
0xc0: {  	s6 =	simm.s32 @!p1 $0x14000;
	s9 =	rddreg [dreg:$0xf]  }
0xc1: {  	[tilespmem:s6], [sflag:$0x1] =	stream.linear.gather @!p1 [hbm4b:s9+s1], $0x4000, $0x38;
	[tilespmem:$0x1C100] =	vst v63  }
.Ltmp4:
0xc2: {  	_ = 	snop;
	(pc) =	sbr.rel @p2 .LBB2_9-.Ltmp4, $4  }
.Ltmp5:
0xc3: {  	_ = 	snop;
	(pc) =	sbr.rel @!p2 .LBB2_8-.Ltmp5, $4  }
0xc4: {  	_ =	swait.ge [sflag:s18], $0x4000  }
0xc5: {  	[sflag:s18] =	ssyncset.done $0x0  }
0xc6: {  	s1 =	rddreg [dreg:$0xc];
	[sflag:s18] =	ssyncadd.s32 $0xFFFFC000  }
0xc7: {  	_ = 	snop  }
.LBB2_5:
0xc8: {  	s6 =	rddreg [dreg:$0x6]  }
0xc9: {  	[tilespmem:s31], [sflag:$0x1] =	stream.linear.gather [hbm4b:s6+s1], $0x4000, $0x38;
	[tilespmem:$0x1C100] =	vst v63  }
0xca: {  	s9 =	rddreg [dreg:$0x7]  }
0xcb: {  	[tilespmem:s4], [sflag:$0x2] =	stream.linear.gather [hbm4b:s9+s1], $0x80, $0x38;
	[tilespmem:$0x1C100] =	vst v63  }
0xcc: {  	s12 =	rddreg [dreg:$0x8]  }
0xcd: {  	[tilespmem:s7], [sflag:$0x2] =	stream.linear.gather [hbm4b:s12+s1], $0x4000, $0x38;
	[tilespmem:$0x1C100] =	vst v63  }
0xce: {  	_ =	swait.ge [sflag:s5], $0x80  }
0xcf: {  	[sflag:s5] =	ssyncset.done $0x0  }
0xd0: {  	[sflag:s5] =	ssyncadd.s32 $0xFFFFFF80  }
0xd1: {  	_ =	swait.ge [sflag:s5], $0x4000  }
0xd2: {  	[sflag:s5] =	ssyncset.done $0x0  }
0xd3: {  	[sflag:s5] =	ssyncadd.s32 $0xFFFFC000  }
0xd4: {  	[spmem:s21] =	stream.indirect.scatter.add.f32 [tilespmem:s31], [sflag:$0x3], $0x80, s0, s8, $0xb8;
	[tilespmem:$0x1C100] =	vst v63  }
0xd5: {  	_ =	swait.ge [sflag:s10], $0x80  }
0xd6: {  	[sflag:s10] =	ssyncset.done $0x0  }
0xd7: {  	[sflag:s10] =	ssyncadd.s32 $0xFFFFFF80  }
0xd8: {  	_ =	swait.ge [sflag:s10], $0x4000  }
0xd9: {  	[sflag:s10] =	ssyncset.done $0x0  }
0xda: {  	[sflag:s10] =	ssyncadd.s32 $0xFFFFC000  }
0xdb: {  	[spmem:s21] =	stream.indirect.scatter.add.f32 [tilespmem:s7], [sflag:$0x4], $0x80, s4, s8, $0xb8;
	[tilespmem:$0x1C100] =	vst v63  }
0xdc: {  	_ =	swait.ge [sflag:s11], $0x4000  }
0xdd: {  	[sflag:s11] =	ssyncset.done $0x0  }
0xde: {  	s6 =	sadd.s32 $0x0, s17;
	[sflag:s11] =	ssyncadd.s32 $0xFFFFC000  }
0xdf: {  	[tilespmem:s0], [sflag:$0x1] =	stream.linear.gather [hbm4b:s6+s19], $0x80, $0x38;
	[tilespmem:$0x1C100] =	vst v63  }
0xe0: {  	s9 =	sadd.s32 $0xFFFF8000, s29  }
0xe1: {  	[tilespmem:s31], [sflag:$0x1] =	stream.linear.gather [hbm4b:s9+s19], $0x4000, $0x38;
	[tilespmem:$0x1C100] =	vst v63  }
0xe2: {  	_ =	swait.ge [sflag:s18], $0x4000  }
0xe3: {  	s30 =	smov.u32 s29;
	s12 =	sadd.s32 $0x0, s16;
	[sflag:s18] =	ssyncset.done $0x0  }
0xe4: {  	s1 =	sadd.s32 $0x10000, s29;
	s6 =	simm.s32 $0x200;
	[sflag:s18] =	ssyncadd.s32 $0xFFFFC000  }
0xe5: {  	[tilespmem:s4], [sflag:$0x2] =	stream.linear.gather [hbm4b:s12+s19], $0x80, $0x38;
	[tilespmem:$0x1C100] =	vst v63  }
.LBB2_6:
0xe6: {  	[tilespmem:s7], [sflag:$0x2] =	stream.linear.gather [hbm4b:s30+s19], $0x4000, $0x38;
	[tilespmem:$0x1C100] =	vst v63  }
0xe7: {  	s9 =	smov.u32 s6;
	s30 =	smov.u32 s1  }
0xe8: {  	p4 =	sne.s32 s6, $0x9800;
	s6 =	sadd.s32 $0x200, s6;
	_ =	swait.ge [sflag:s5], $0x80  }
0xe9: {  	[sflag:s5] =	ssyncset.done $0x0  }
0xea: {  	[sflag:s5] =	ssyncadd.s32 $0xFFFFFF80  }
0xeb: {  	_ =	swait.ge [sflag:s5], $0x4000  }
0xec: {  	[sflag:s5] =	ssyncset.done $0x0  }
0xed: {  	[sflag:s5] =	ssyncadd.s32 $0xFFFFC000  }
0xee: {  	[spmem:s21] =	stream.indirect.scatter.add.f32 [tilespmem:s31], [sflag:$0x3], $0x80, s0, s8, $0xb8;
	[tilespmem:$0x1C100] =	vst v63  }
0xef: {  	_ =	swait.ge [sflag:s10], $0x80  }
0xf0: {  	[sflag:s10] =	ssyncset.done $0x0  }
0xf1: {  	[sflag:s10] =	ssyncadd.s32 $0xFFFFFF80  }
0xf2: {  	_ =	swait.ge [sflag:s10], $0x4000  }
0xf3: {  	[sflag:s10] =	ssyncset.done $0x0  }
0xf4: {  	[sflag:s10] =	ssyncadd.s32 $0xFFFFC000  }
0xf5: {  	[spmem:s21] =	stream.indirect.scatter.add.f32 [tilespmem:s7], [sflag:$0x4], $0x80, s4, s8, $0xb8;
	[tilespmem:$0x1C100] =	vst v63  }
0xf6: {  	_ =	swait.ge [sflag:s11], $0x4000  }
0xf7: {  	[sflag:s11] =	ssyncset.done $0x0  }
0xf8: {  	s12 =	sadd.s32 s9, s17;
	[sflag:s11] =	ssyncadd.s32 $0xFFFFC000  }
0xf9: {  	[tilespmem:s0], [sflag:$0x1] =	stream.linear.gather [hbm4b:s12+s19], $0x80, $0x38;
	[tilespmem:$0x1C100] =	vst v63  }
0xfa: {  	s12 =	sadd.s32 $0xFFFF8000, s1  }
0xfb: {  	[tilespmem:s31], [sflag:$0x1] =	stream.linear.gather [hbm4b:s12+s19], $0x4000, $0x38;
	[tilespmem:$0x1C100] =	vst v63  }
.Ltmp6:
0xfc: {  	_ =	swait.ge [sflag:s18], $0x4000;
	(pc) =	sbr.rel @p4 .LBB2_6-.Ltmp6, $4  }
0xfd: {  	[sflag:s18] =	ssyncset.done $0x0  }
0xfe: {  	s9 =	sadd.s32 s9, s16;
	[sflag:s18] =	ssyncadd.s32 $0xFFFFC000  }
0xff: {  	[tilespmem:s4], [sflag:$0x2] =	stream.linear.gather [hbm4b:s9+s19], $0x80, $0x38;
	[tilespmem:$0x1C100] =	vst v63  }
0x100: {  	s1 =	sadd.s32 $0x10000, s1  }
0x101: {  	[tilespmem:s7], [sflag:$0x2] =	stream.linear.gather [hbm4b:s30+s19], $0x4000, $0x38;
	[tilespmem:$0x1C100] =	vst v63  }
0x102: {  	_ =	swait.ge [sflag:s5], $0x80  }
0x103: {  	[sflag:s5] =	ssyncset.done $0x0  }
0x104: {  	[sflag:s5] =	ssyncadd.s32 $0xFFFFFF80  }
0x105: {  	_ =	swait.ge [sflag:s5], $0x4000  }
0x106: {  	[sflag:s5] =	ssyncset.done $0x0  }
0x107: {  	[sflag:s5] =	ssyncadd.s32 $0xFFFFC000  }
0x108: {  	[spmem:s21] =	stream.indirect.scatter.add.f32 [tilespmem:s31], [sflag:$0x3], $0x80, s0, s8, $0xb8;
	[tilespmem:$0x1C100] =	vst v63  }
0x109: {  	_ =	swait.ge [sflag:s10], $0x80  }
0x10a: {  	[sflag:s10] =	ssyncset.done $0x0  }
0x10b: {  	[sflag:s10] =	ssyncadd.s32 $0xFFFFFF80  }
0x10c: {  	_ =	swait.ge [sflag:s10], $0x4000  }
0x10d: {  	[sflag:s10] =	ssyncset.done $0x0  }
0x10e: {  	[sflag:s10] =	ssyncadd.s32 $0xFFFFC000  }
0x10f: {  	[spmem:s21] =	stream.indirect.scatter.add.f32 [tilespmem:s7], [sflag:$0x4], $0x80, s4, s8, $0xb8;
	[tilespmem:$0x1C100] =	vst v63  }
0x110: {  	_ =	swait.ge [sflag:s11], $0x4000  }
0x111: {  	s1 =	simm.s32 @!p1 $0x0;
	[sflag:s11] =	ssyncset.done $0x0  }
0x112: {  	s6 =	simm.s32 @!p1 $0x1C000;
	s9 =	rddreg [dreg:$0xd];
	[sflag:s11] =	ssyncadd.s32 $0xFFFFC000  }
0x113: {  	[tilespmem:s6], [sflag:$0x1] =	stream.linear.gather @!p1 [hbm4b:s9+s1], $0x80, $0x38;
	[tilespmem:$0x1C100] =	vst v63  }
0x114: {  	s6 =	simm.s32 @!p1 $0x14000;
	s9 =	rddreg [dreg:$0xe]  }
0x115: {  	[tilespmem:s6], [sflag:$0x1] =	stream.linear.gather @!p1 [hbm4b:s9+s1], $0x4000, $0x38;
	[tilespmem:$0x1C100] =	vst v63  }
.Ltmp7:
0x116: {  	_ = 	snop;
	(pc) =	sbr.rel @!p3 .LBB2_9-.Ltmp7, $4  }
.Ltmp8:
0x117: {  	_ = 	snop;
	(pc) =	sbr.rel @p3 .LBB2_8-.Ltmp8, $4  }
0x118: {  	_ =	swait.ge [sflag:s18], $0x4000  }
0x119: {  	[sflag:s18] =	ssyncset.done $0x0  }
0x11a: {  	s1 =	rddreg [dreg:$0x9];
	[sflag:s18] =	ssyncadd.s32 $0xFFFFC000  }
0x11b: {  	_ = 	snop  }
.LBB2_10:
0x11c: {  	_ =	sfence.sel $0x180000  }
0x11d: {  	[bflag:$0x0] =	sbarrier.arrive $0xFFFF  }
0x11e: {  	_ =	strace $0x9000004A  }
0x11f: {  	s0 =	stileid.u32;
	[bflag:$0x2] =	sbarrier.arrive $0xFFFF  }
0x120: {  	p0 =	sne.s32 s0, $0x0;
	s0 =	rddreg [dreg:$0x4]  }
0x121: {  	s0 =	sadd.s32 @!p0 $0x100000, s0  }
0x122: {  	[sflag:s0] =	ssyncadd.tile.s32 @!p0 $0x1;
	_ =	shalt  }
.Lfunc_end2:
_tile_overlayer_lowered:
.L_overlay_start_2:
0x123: {  	(tag) =	ssettag $0x2  }
0x124: {  	s0 =	rddreg [dreg:$0x0];
	s2 =	stileid.u32  }
0x125: {  	s1 =	rddreg [dreg:$0x1];
	p0 =	sne.s32 s2, $0x0  }
0x126: {  	s3 =	rddreg [dreg:$0x2];
	[bflag:$0x3] =	sbarrier.arrive $0xFFFF;
	s2 =	simm.s32 @!p0 $0x1C05  }
0x127: {  	[timem:s3], [sflag:s2] =	dma.local @!p0 [hbm:s0], s1  }
0x128: {  	s0 =	simm.s32 @!p0 $0x5  }
0x129: {  	_ =	swait.ge @!p0 [sflag:s0], s1  }
0x12a: {  	s1 =	ssub.s32 @!p0 $0x0, s1;
	[sflag:s0] =	ssyncset.done @!p0 $0x0  }
0x12b: {  	[sflag:s0] =	ssyncadd.s32 @!p0 s1  }
0x12c: {  	[bflag:$0x3] =	sbarrier.arrive $0xFFFF  }
0x12d: {  	_ =	shalt  }

// kernel: kernel.7.cloned.1.call-start
scs
__scs_entry_jumppad:
0x0: {  	(pc) =	sbr.rel $0x88, $3  }
0x1: {  	(tag) =	ssettag $0x0;
	lr =	simm.s32 $0x1  }
0x2: {  	[smem:$0x3F92] =	sst lr;
	_ =	strace $0xD0000000  }
0x3: {  	_ = 	snop  }
0x4: {  	_ = 	snop  }
0x5: {  	_ = 	snop  }
0x6: {  	_ = 	snop  }
0x7: {  	_ = 	snop  }
__scs_overlays_trampoline_lowered:
0x8: {  	[smem:$0x3FA1] =	sst s0  }
0x9: {  	[smem:$0x3FA2] =	sst s1  }
0xa: {  	[smem:$0x3FA3] =	sst s2  }
0xb: {  	[smem:$0x3FA4] =	sst s3  }
0xc: {  	[smem:$0x3FA5] =	sst s4  }
0xd: {  	[smem:$0x3FA6] =	sst s5  }
0xe: {  	[smem:$0x3FA7] =	sst s6  }
0xf: {  	[smem:$0x3FA8] =	sst s7  }
0x10: {  	[smem:$0x3FA9] =	sst s8  }
0x11: {  	[smem:$0x3FAA] =	sst s9;
	s0 =	simm.s32 @!p0 $0x0  }
0x12: {  	s1 =	sld [smem:$0x3F90];
	s0 =	simm.s32 @p0 $0x1  }
0x13: {  	[smem:$0x3FAB] =	sst s0;
	s0 =	simm.s32 @!p1 $0x0  }
0x14: {  	s2 =	sld [smem:$0x3F8F];
	s0 =	simm.s32 @p1 $0x1  }
0x15: {  	[smem:$0x3FAC] =	sst s0;
	s0 =	simm.s32 @!p2 $0x0  }
0x16: {  	s3 =	sld [smem:$0x3FDB];
	s0 =	simm.s32 @p2 $0x1  }
0x17: {  	s4 =	simm.s32 $0x1BF5;
	[smem:$0x3FAE] =	sst s0  }
0x18: {  	s0 =	sld [smem:$0x3F91];
	_ =	swait.ge [sflag:s4], $0x0  }
0x19: {  	s7 =	sld [smem:$0x3F92]  }
0x1a: {  	s8 =	sadd.s32 $0xFFFFE003, lr  }
0x1b: {  	s9 =	sadd.s32 $0xFFFFFEF7, lr;
	s5 =	simm.s32 $0xFFFFFFFF;
	p2 =	slt.u32 s8, $0xFFFFF086  }
0x1c: {  	p1 =	slt.u32 s9, $0xF7A;
	s5 =	simm.s32 @!p2 $0x0  }
0x1d: {  	s5 =	simm.s32 @p1 $0x1;
	p0 =	seq.s32 s7, s2  }
0x1e: {  	s7 =	smul.u32 @!p0 $0xF7A, s2;
	p2 =	seq.s32 @!p0 s5, $0x0  }
0x1f: {  	s9 =	smul.u32 $0xF7A, s1;
	s8 =	simm.s32 @!p0 $0x1BF5;
	p2 =	por !p2, p0  }
0x20: {  	[sflag:s8] =	ssyncset.s32 @!p0 $0xFFFFF086;
	s6 =	sadd.s32 @!p0 s3, s7;
	s7 =	simm.s32 @!p0 $0x108  }
0x21: {  	s3 =	sadd.s32 s3, s9;
	s6 =	sadd.s32 @!p0 $0x88, s6;
	s7 =	simm.s32 @p2 $0x1082  }
0x22: {  	[simem:s7], [sflag:s8] =	dma.local @!p0 [hbm:s6], $0xF7A  }
0x23: {  	s9 =	sor.u32 $0xD0000000, s2;
	s6 =	simm.s32 $0x108;
	_ =	swait.ge @!p0 [sflag:s8], $0x0  }
0x24: {  	s3 =	sadd.s32 $0x88, s3;
	s6 =	simm.s32 @!p1 $0x1082;
	[sflag:s4] =	ssyncset.s32 $0xFFFFF086  }
0x25: {  	[simem:s6], [sflag:s4] =	dma.local [hbm:s3], $0xF7A  }
0x26: {  	[smem:$0x3F92] =	sst s1;
	(tag) =	ssettag s2;
	_ =	strace s9  }
0x27: {  	s1 =	sld [smem:$0x3FA2]  }
0x28: {  	s2 =	sld [smem:$0x3FA3]  }
0x29: {  	s4 =	sld [smem:$0x3FA5]  }
0x2a: {  	p0 =	seq.s32 s5, $0x0;
	s5 =	sld [smem:$0x3FA6]  }
0x2b: {  	s6 =	sld [smem:$0x3FA7]  }
0x2c: {  	s7 =	sld [smem:$0x3FA8]  }
0x2d: {  	s3 =	simm.s32 $0x108;
	s8 =	sld [smem:$0x3FA9]  }
0x2e: {  	s3 =	simm.s32 @!p0 $0x1082;
	s9 =	sld [smem:$0x3FAA]  }
0x2f: {  	lr =	sadd.s32 s0, s3;
	s0 =	sld [smem:$0x3FA1]  }
0x30: {  	s3 =	sld [smem:$0x3FA4]  }
0x31: {  	[smem:$0x3FAD] =	sst s10  }
0x32: {  	s10 =	sld [smem:$0x3FAB];
	_ =	sdelay $0x3  }
0x33: {  	p0 =	seq.s32 s10, $0x1;
	s10 =	sld [smem:$0x3FAD];
	_ =	sdelay $0x3  }
0x34: {  	[smem:$0x3FAD] =	sst s10  }
0x35: {  	s10 =	sld [smem:$0x3FAC];
	_ =	sdelay $0x3  }
0x36: {  	p1 =	seq.s32 s10, $0x1;
	s10 =	sld [smem:$0x3FAD];
	_ =	sdelay $0x3  }
0x37: {  	[smem:$0x3FAD] =	sst s10  }
0x38: {  	s10 =	sld [smem:$0x3FAE]  }
0x39: {  	_ = 	snop;
	(pc) =	sbr.ind lr, $3  }
0x3a: {  	_ = 	snop  }
0x3b: {  	_ = 	snop  }
0x3c: {  	p2 =	seq.s32 s10, $0x1;
	s10 =	sld [smem:$0x3FAD]  }
0x3d: {  	_ =	shalt  }
0x3e: {  	_ =	shalt  }
0x3f: {  	_ =	shalt  }
0x40: {  	_ =	shalt  }
0x41: {  	_ =	shalt  }
0x42: {  	_ =	shalt  }
0x43: {  	_ =	shalt  }
0x44: {  	_ =	shalt  }
0x45: {  	_ =	shalt  }
0x46: {  	_ =	shalt  }
0x47: {  	_ =	shalt  }
0x48: {  	_ =	shalt  }
0x49: {  	_ =	shalt  }
0x4a: {  	_ =	shalt  }
0x4b: {  	_ =	shalt  }
0x4c: {  	_ =	shalt  }
0x4d: {  	_ =	shalt  }
0x4e: {  	_ =	shalt  }
0x4f: {  	_ =	shalt  }
0x50: {  	_ =	shalt  }
0x51: {  	_ =	shalt  }
0x52: {  	_ =	shalt  }
0x53: {  	_ =	shalt  }
0x54: {  	_ =	shalt  }
0x55: {  	_ =	shalt  }
0x56: {  	_ =	shalt  }
0x57: {  	_ =	shalt  }
0x58: {  	_ =	shalt  }
0x59: {  	_ =	shalt  }
0x5a: {  	_ =	shalt  }
0x5b: {  	_ =	shalt  }
0x5c: {  	_ =	shalt  }
0x5d: {  	_ =	shalt  }
0x5e: {  	_ =	shalt  }
0x5f: {  	_ =	shalt  }
0x60: {  	_ =	shalt  }
0x61: {  	_ =	shalt  }
0x62: {  	_ =	shalt  }
0x63: {  	_ =	shalt  }
0x64: {  	_ =	shalt  }
0x65: {  	_ =	shalt  }
0x66: {  	_ =	shalt  }
0x67: {  	_ =	shalt  }
0x68: {  	_ =	shalt  }
0x69: {  	_ =	shalt  }
0x6a: {  	_ =	shalt  }
0x6b: {  	_ =	shalt  }
0x6c: {  	_ =	shalt  }
0x6d: {  	_ =	shalt  }
0x6e: {  	_ =	shalt  }
0x6f: {  	_ =	shalt  }
0x70: {  	_ =	shalt  }
0x71: {  	_ =	shalt  }
0x72: {  	_ =	shalt  }
0x73: {  	_ =	shalt  }
0x74: {  	_ =	shalt  }
0x75: {  	_ =	shalt  }
0x76: {  	_ =	shalt  }
0x77: {  	_ =	shalt  }
0x78: {  	_ =	shalt  }
0x79: {  	_ =	shalt  }
0x7a: {  	_ =	shalt  }
0x7b: {  	_ =	shalt  }
0x7c: {  	_ =	shalt  }
0x7d: {  	_ =	shalt  }
0x7e: {  	_ =	shalt  }
0x7f: {  	_ =	shalt  }
0x80: {  	_ =	shalt  }
0x81: {  	_ =	shalt  }
0x82: {  	_ =	shalt  }
0x83: {  	_ =	shalt  }
0x84: {  	_ =	shalt  }
0x85: {  	_ =	shalt  }
0x86: {  	_ =	shalt  }
0x87: {  	_ =	shalt  }
.Lfunc_end0:
.L_simem_size_0:
called_computation_lowered:
.L_overlay_start_0:
0x88: {  	s2 =	sld [smem:$0x3FD9]  }
0x89: {  	s3 =	sld [smem:$0x3FFE];
	_ =	sdelay $0x1  }
0x8a: {  	s1 =	srdreg.scid  }
0x8b: {  	s0 =	sand.u32 $0x1, s1  }
0x8c: {  	s17 =	sshll.u32 s0, $0xA;
	s2 =	sadd.s32 s3, s2  }
0x8d: {  	s2 =	sadd.s32 s2, s17  }
0x8e: {  	[smem:$0x3FB9] =	sst s2  }
0x8f: {  	_ = 	snop  }
0x90: {  	s2 =	sld [smem:$0x3FC5]  }
0x91: {  	s18 =	sld [smem:$0x3FD0];
	(tm) =	ssettm $0x1  }
0x92: {  	s4 =	sld [smem:$0x3FFB];
	_ =	sdelay $0x3  }
0x93: {  	_ =	strace s4  }
0x94: {  	s4 =	sld [smem:$0x3FFC];
	_ =	sdelay $0x3  }
0x95: {  	_ =	strace s4  }
0x96: {  	s4 =	sld [smem:$0x3FFD];
	_ =	sdelay $0x3  }
0x97: {  	_ =	strace s4  }
0x98: {  	_ =	strace $0x8FFFFFFF  }
0x99: {  	s19 =	sld [smem:$0x3FDB];
	_ =	sdelay $0x1  }
0x9a: {  	s5 =	simm.s32 $_scs_section_size  }
0x9b: {  	s6 =	simm.s32 $_size__tile_overlayer_lowered;
	s7 =	simm.s32 $_tile_overlayer_lowered  }
0x9c: {  	s22 =	simm.s32 $0x1BFF;
	s21 =	sshll.u32 s7, $0x1;
	s4 =	sadd.s32 s5, s19  }
0x9d: {  	s8 =	simm.s32 $0x0;
	s20 =	sshll.u32 s6, $0x1;
	s6 =	sadd.s32 s21, s4  }
0x9e: {  	[timem:s8], [sflag:s22] =	dma.local [hbm:s6], s20  }
0x9f: {  	_ =	swait.ge [sflag:s22], s20  }
0xa0: {  	s5 =	ssub.s32 $0x0, s20;
	[sflag:s22] =	ssyncset.done $0x0  }
0xa1: {  	[sflag:s22] =	ssyncadd.s32 s5;
	_ =	sdelay $0x1  }
0xa2: {  	s23 =	simm.s32 $0x1B8B  }
0xa3: {  	_ =	swait.ge [sflag:s23], $0x1  }
0xa4: {  	[sflag:s23] =	ssyncset.done $0x0  }
0xa5: {  	s25 =	simm.s32 $0x1B8E;
	s24 =	sld [smem:$0x3FFE];
	[sflag:s23] =	ssyncadd.s32 $0xFFFFFFFF  }
0xa6: {  	s26 =	simm.s32 $execute0_lowered;
	[smem:$0x3FD2] =	sst s25  }
0xa7: {  	s6 =	sshll.u32 s26, $0x1;
	_ =	strace $0x80000046;
	[dreg:$0x1] =	wrdreg $0xFFFFFFFF  }
0xa8: {  	s28 =	simm.s32 $_size_execute0_lowered;
	s4 =	sadd.s32 s4, s6;
	[dreg:$0x0] =	wrdreg $0x0  }
0xa9: {  	s6 =	sshll.u32 s28, $0x1;
	[dreg:$0x2] =	wrdreg s4  }
0xaa: {  	[dreg:$0x3] =	wrdreg s6  }
0xab: {  	[dreg:$0x4] =	wrdreg $0xC0  }
0xac: {  	_ =	task [dreg:s8], $0x5FFFF  }
0xad: {  	[dreg:$0x1] =	wrdreg $0xFFFFFFFF  }
0xae: {  	[dreg:$0x0] =	wrdreg $0x60  }
0xaf: {  	[dreg:$0x2] =	wrdreg s18  }
0xb0: {  	[dreg:$0x3] =	wrdreg s2  }
0xb1: {  	[dreg:$0x4] =	wrdreg s24  }
0xb2: {  	[dreg:$0x5] =	wrdreg $0x9  }
0xb3: {  	_ =	task.clear_ibuf [dreg:s8], $0x6FFFF;
	_ =	strace $0x90000046  }
0xb4: {  	s29 =	simm.s32 $0x9;
	_ =	strace $0x80000048  }
0xb5: {  	_ =	swait.ge [sflag:s29], $0x1  }
0xb6: {  	[sflag:s29] =	ssyncadd.s32 $0xFFFFFFFF  }
0xb7: {  	_ =	strace $0x90000048  }
0xb8: {  	_ =	sfence  }
0xb9: {  	s30 =	sld [smem:$0x0];
	_ =	sdelay $0x2  }
0xba: {  	s31 =	sshll.u32 s1, $0xD;
	s1 =	sshrl.u32 s1, $0x2  }
0xbb: {  	s3 =	sand.u32 $0x4000, s31;
	s1 =	sadd.s32 s1, s30  }
0xbc: {  	s0 =	sor.u32 s3, s0;
	s1 =	sshll.u32 s1, $0x11  }
0xbd: {  	s0 =	sor.u32 s1, s0  }
0xbe: {  	s0 =	sadd.s32 $0x8F2B, s0  }
0xbf: {  	[sflag:s0] =	ssyncadd.remote.s32 $0x1  }
0xc0: {  	_ =	sfence.sel $0xFFFF  }
0xc1: {  	[dreg:$0x0] =	wrdreg $0xFFFFFFFF;
	(pc) =	sbr.abs _section_cstart, $3  }
0xc2: {  	[dreg:$0x1] =	wrdreg $0xFFFFFFFF  }
0xc3: {  	_ =	task.clear_ibuf [dreg:s8], $0x2FFFF;
	_ =	strace $0x9FFFFFFF  }
0xc4: {  	(tm) =	ssettm $0x7FFFFFFF  }
0xc5: {  	_ =	shalt  }
tec
execute0_lowered:
.L_overlay_start_1:
0x0: {  	(tag) =	ssettag $0x1  }
0x1: {  	s1 =	rddreg [dreg:$0x0]  }
0x2: {  	s4 =	rddreg [dreg:$0x1]  }
0x3: {  	s5 =	rddreg [dreg:$0x2]  }
0x4: {  	s0 =	rddreg [dreg:$0x3]  }
0x5: {  	s6 =	srdreg.scid;
	s2 =	stileid.u32;
	s3 =	simm.s32 $0x0  }
0x6: {  	s12 =	simm.s32 $0x8B80;
	s13 =	simm.s32 $0x1;
	s14 =	simm.s32 $0x2  }
0x7: {  	s15 =	simm.s32 $0x3;
	s16 =	simm.s32 $0x4;
	s17 =	simm.s32 $0x0  }
0x8: {  	s6 =	sand.u32 $0x1, s6;
	s7 =	sshll.u32 s2, $0x1;
	s11 =	smul.u32 $0x4E200, s2  }
0x9: {  	[smem:$0x7FF] =	sst s3;
	s7 =	sor.u32 s6, s7;
	s31 =	smul.u32 $0x27100, s6  }
0xa: {  	s9 =	sadd.s32 $0x3A00, s5;
	s30 =	ssub.s32 $0x2, s6;
	s8 =	smul.u32 $0x2710, s7  }
0xb: {  	_ =	strace $0x80000047;
	s7 =	smul.u32 $0x27100, s7;
	s10 =	sshrl.u32 s30, $0x1  }
0xc: {  	s5 =	ssub.s32 s30, s10;
	s10 =	simm.s32 $0xC8;
	s8 =	sshrl.u32 s8, $0x3  }
0xd: {  	s5 =	smax.u32 s5, $0x1;
	s7 =	sadd.s32 s9, s7;
	s9 =	sadd.s32 s11, s9  }
0xe: {  	s11 =	simm.s32 $0x2780;
	s4 =	sadd.s32 s4, s8;
	s6 =	sadd.s32 $0x25800, s7  }
0xf: {  	s7 =	sadd.s32 $0x26480, s7;
	s8 =	sadd.s32 s31, s9;
	s9 =	simm.s32 $0x5  }
.LBB2_1:
0x10: {  	[tilespmem:s3], [sflag:$0x5] =	stream.linear.gather [hbm4b:s4+s3], $0x2710, $0x38;
	[tilespmem:$0xEF80] =	vst v63  }
0x11: {  	_ =	swait.ge [sflag:s9], $0x2710  }
0x12: {  	[sflag:s9] =	ssyncset.done $0x0  }
0x13: {  	[sflag:s9] =	ssyncadd.s32 $0xFFFFD8F0  }
0x14: {  	[tilespmem:s11], [sflag:$0x1] =	stream.indirect.gather [hbm4b:s1+s10], $0x80, s3, s10, $0xb8;
	[tilespmem:$0xEF80] =	vst v63  }
0x15: {  	_ = 	snop  }
0x16: {  	[tilespmem:s12], [sflag:$0x2] =	stream.indirect.gather [hbm4b:s1+s10], $0x80, s10, s10, $0xb8;
	[tilespmem:$0xEF80] =	vst v63  }
0x17: {  	_ =	swait.ge [sflag:s13], $0x6400  }
0x18: {  	[sflag:s13] =	ssyncset.done $0x0  }
0x19: {  	s18 =	sadd.s32 $0x0, s8;
	[sflag:s13] =	ssyncadd.s32 $0xFFFF9C00  }
0x1a: {  	[hbm4b:s18+s3] =	stream.linear.scatter [tilespmem:s11], [sflag:$0x3], $0x6400, $0x38;
	[tilespmem:$0xEF80] =	vst v63  }
0x1b: {  	_ =	swait.ge [sflag:s14], $0x6400  }
0x1c: {  	[sflag:s14] =	ssyncset.done $0x0  }
0x1d: {  	s18 =	sadd.s32 $0xC80, s18;
	[sflag:s14] =	ssyncadd.s32 $0xFFFF9C00  }
0x1e: {  	[hbm4b:s18+s3] =	stream.linear.scatter [tilespmem:s12], [sflag:$0x4], $0x6400, $0x38;
	[tilespmem:$0xEF80] =	vst v63  }
0x1f: {  	_ =	swait.ge [sflag:s15], $0x6400  }
0x20: {  	[sflag:s15] =	ssyncset.done $0x0  }
0x21: {  	s31 =	simm.s32 $0x190;
	[sflag:s15] =	ssyncadd.s32 $0xFFFF9C00  }
0x22: {  	[tilespmem:s11], [sflag:$0x1] =	stream.indirect.gather [hbm4b:s1+s10], $0x80, s31, s10, $0xb8;
	[tilespmem:$0xEF80] =	vst v63  }
0x23: {  	_ =	swait.ge [sflag:s16], $0x6400  }
0x24: {  	s19 =	simm.s32 $0x1900;
	[sflag:s16] =	ssyncset.done $0x0  }
0x25: {  	s20 =	simm.s32 $0x3E8;
	s18 =	simm.s32 $0x258;
	[sflag:s16] =	ssyncadd.s32 $0xFFFF9C00  }
.LBB2_2:
0x26: {  	[tilespmem:s12], [sflag:$0x2] =	stream.indirect.gather [hbm4b:s1+s10], $0x80, s18, s10, $0xb8;
	[tilespmem:$0xEF80] =	vst v63  }
0x27: {  	s21 =	smov.u32 s19;
	s18 =	smov.u32 s20  }
0x28: {  	p0 =	sne.s32 s19, $0x23F00;
	s19 =	sadd.s32 $0x1900, s19;
	_ =	swait.ge [sflag:s13], $0x6400  }
0x29: {  	[sflag:s13] =	ssyncset.done $0x0  }
0x2a: {  	s21 =	sadd.s32 s21, s8;
	[sflag:s13] =	ssyncadd.s32 $0xFFFF9C00  }
0x2b: {  	[hbm4b:s21+s3] =	stream.linear.scatter [tilespmem:s11], [sflag:$0x3], $0x6400, $0x38;
	[tilespmem:$0xEF80] =	vst v63  }
0x2c: {  	_ =	swait.ge [sflag:s14], $0x6400  }
0x2d: {  	[sflag:s14] =	ssyncset.done $0x0  }
0x2e: {  	s21 =	sadd.s32 $0xC80, s21;
	[sflag:s14] =	ssyncadd.s32 $0xFFFF9C00  }
0x2f: {  	[hbm4b:s21+s3] =	stream.linear.scatter [tilespmem:s12], [sflag:$0x4], $0x6400, $0x38;
	[tilespmem:$0xEF80] =	vst v63  }
0x30: {  	_ =	swait.ge [sflag:s15], $0x6400  }
0x31: {  	[sflag:s15] =	ssyncset.done $0x0  }
.Ltmp0:
0x32: {  	s21 =	sadd.s32 $0xFFFFFF38, s20;
	[sflag:s15] =	ssyncadd.s32 $0xFFFF9C00;
	(pc) =	sbr.rel @p0 .LBB2_2-.Ltmp0, $4  }
0x33: {  	[tilespmem:s11], [sflag:$0x1] =	stream.indirect.gather [hbm4b:s1+s10], $0x80, s21, s10, $0xb8;
	[tilespmem:$0xEF80] =	vst v63  }
0x34: {  	_ =	swait.ge [sflag:s16], $0x6400  }
0x35: {  	[sflag:s16] =	ssyncset.done $0x0  }
0x36: {  	s20 =	sadd.s32 $0x190, s20;
	[sflag:s16] =	ssyncadd.s32 $0xFFFF9C00  }
0x37: {  	[tilespmem:s12], [sflag:$0x2] =	stream.indirect.gather [hbm4b:s1+s10], $0x80, s18, s10, $0xb8;
	[tilespmem:$0xEF80] =	vst v63  }
0x38: {  	_ =	swait.ge [sflag:s13], $0x6400  }
0x39: {  	[sflag:s13] =	ssyncset.done $0x0  }
0x3a: {  	[sflag:s13] =	ssyncadd.s32 $0xFFFF9C00  }
0x3b: {  	[hbm4b:s6+s3] =	stream.linear.scatter [tilespmem:s11], [sflag:$0x3], $0x6400, $0x38;
	[tilespmem:$0xEF80] =	vst v63  }
0x3c: {  	_ =	swait.ge [sflag:s14], $0x6400  }
0x3d: {  	[sflag:s14] =	ssyncset.done $0x0  }
0x3e: {  	s17 =	sadd.s32 $0x1, s17;
	[sflag:s14] =	ssyncadd.s32 $0xFFFF9C00  }
0x3f: {  	[hbm4b:s7+s3] =	stream.linear.scatter [tilespmem:s12], [sflag:$0x4], $0x6400, $0x38;
	[tilespmem:$0xEF80] =	vst v63  }
0x40: {  	p0 =	sne.s32 s17, s5;
	_ =	swait.ge [sflag:s15], $0x6400  }
.Ltmp1:
0x41: {  	[sflag:s15] =	ssyncset.done $0x0;
	(pc) =	sbr.rel @p0 .LBB2_1-.Ltmp1, $4  }
0x42: {  	[sflag:s15] =	ssyncadd.s32 $0xFFFF9C00  }
0x43: {  	_ =	swait.ge [sflag:s16], $0x6400  }
0x44: {  	[sflag:s16] =	ssyncset.done $0x0  }
0x45: {  	[sflag:s16] =	ssyncadd.s32 $0xFFFF9C00  }
0x46: {  	_ =	sfence.sel $0x180000  }
0x47: {  	[bflag:$0x0] =	sbarrier.arrive $0xFFFF  }
0x48: {  	p0 =	sne.s32 s2, $0x0;
	_ =	strace $0x90000047  }
0x49: {  	s0 =	sadd.s32 @!p0 $0x100000, s0;
	[bflag:$0x2] =	sbarrier.arrive $0xFFFF  }
0x4a: {  	[sflag:s0] =	ssyncadd.tile.s32 @!p0 $0x1;
	_ =	shalt  }
.Lfunc_end2:
_tile_overlayer_lowered:
.L_overlay_start_2:
0x4b: {  	(tag) =	ssettag $0x2  }
0x4c: {  	s0 =	rddreg [dreg:$0x0];
	s2 =	stileid.u32  }
0x4d: {  	s1 =	rddreg [dreg:$0x1];
	p0 =	sne.s32 s2, $0x0  }
0x4e: {  	s3 =	rddreg [dreg:$0x2];
	[bflag:$0x3] =	sbarrier.arrive $0xFFFF;
	s2 =	simm.s32 @!p0 $0x1C05  }
0x4f: {  	[timem:s3], [sflag:s2] =	dma.local @!p0 [hbm:s0], s1  }
0x50: {  	s0 =	simm.s32 @!p0 $0x5  }
0x51: {  	_ =	swait.ge @!p0 [sflag:s0], s1  }
0x52: {  	s1 =	ssub.s32 @!p0 $0x0, s1;
	[sflag:s0] =	ssyncset.done @!p0 $0x0  }
0x53: {  	[sflag:s0] =	ssyncadd.s32 @!p0 s1  }
0x54: {  	[bflag:$0x3] =	sbarrier.arrive $0xFFFF  }
0x55: {  	_ =	shalt  }

</sc_bundles>
